<compile_context>
chip_gen: v7x
topology: tpu7x:2x2x1
jax: 0.10.2.dev20260603
libtpu: 0.0.44.dev20260713+nightly
codegen_flags: <defaults>
</compile_context>

<pallas_src>
import functools

import jax
import jax.numpy as jnp
from jax import lax
from jax.experimental import pallas as pl
from jax.experimental.pallas import tpu as pltpu
from jax.experimental.pallas import tpu_sc as plsc

B, S, H = 4, 2048, 1024
T = B * S
OFFSET = 2

NSEG = 1
TSEG = T // NSEG

NW = 32
ROWS_PER_TILE = TSEG // NW
CHUNK = 32
NCHUNK = ROWS_PER_TILE // CHUNK


def _sc_gather(word_emb, ids2d):
  mesh = plsc.VectorSubcoreMesh(core_axis_name="c", subcore_axis_name="s")

  @functools.partial(
      pl.kernel,
      mesh=mesh,
      out_type=jax.ShapeDtypeStruct((TSEG, H), jnp.float32),
      scratch_types=[
          pltpu.VMEM((NCHUNK, CHUNK), jnp.int32),
          pltpu.VMEM((CHUNK, H), jnp.float32),
          pltpu.VMEM((CHUNK, H), jnp.float32),
          pltpu.VMEM((CHUNK, H), jnp.float32),
          pltpu.SemaphoreType.DMA,
          pltpu.SemaphoreType.DMA,
          pltpu.SemaphoreType.DMA,
          pltpu.SemaphoreType.DMA,
          pltpu.SemaphoreType.DMA,
          pltpu.SemaphoreType.DMA,
      ],
  )
  def gather_kernel(table, idx, out, idx_v, buf0, buf1, buf2,
                    g0, g1, g2, o0, o1, o2):
    wid = lax.axis_index("s") * 2 + lax.axis_index("c")
    chunk0 = wid * NCHUNK
    pltpu.sync_copy(idx.at[pl.ds(chunk0, NCHUNK)], idx_v)
    bufs = (buf0, buf1, buf2)
    gsems = (g0, g1, g2)
    osems = (o0, o1, o2)
    nbuf = len(bufs)
    gcp = [None] * nbuf
    ocp = [None] * nbuf
    for c in range(min(nbuf - 1, NCHUNK)):
      gcp[c] = pltpu.async_copy(table.at[idx_v.at[c]], bufs[c], gsems[c])
    for c in range(NCHUNK):
      b = c % nbuf
      pc = c + nbuf - 1
      if pc < NCHUNK:
        pb = pc % nbuf
        if ocp[pb] is not None:
          ocp[pb].wait()
        gcp[pb] = pltpu.async_copy(table.at[idx_v.at[pc]], bufs[pb], gsems[pb])
      gcp[b].wait()
      row0 = (chunk0 + c) * CHUNK
      ocp[b] = pltpu.async_copy(bufs[b], out.at[pl.ds(row0, CHUNK)], osems[b])
    for b in range(min(nbuf, NCHUNK)):
      ocp[b].wait()

  return gather_kernel(word_emb, ids2d)


TOK = 1024


HH = H // 2


def _tc_embed_ln_body(ga_ref, gb_ref, pa_ref, pb_ref, tt_id_ref, ut_id_ref,
                      tt_ref, ut_ref, gamma_ref, beta_ref, out_ref):
  t = tt_id_ref[0]
  u = ut_id_ref[0]
  oh_t = (lax.broadcasted_iota(jnp.int32, (2, TOK), 0) == t).astype(jnp.float32)
  oh_u = (lax.broadcasted_iota(jnp.int32, (8, TOK), 0) == u).astype(jnp.float32)
  dn = (((0,), (0,)), ((), ()))
  halves = []
  for hs, g_ref, p_ref in ((0, ga_ref, pa_ref), (1, gb_ref, pb_ref)):
    col = pl.ds(hs * HH, HH)
    tt_c = lax.dot_general(oh_t, tt_ref[:, col], dn,
                           preferred_element_type=jnp.float32,
                           precision=lax.Precision.DEFAULT)
    ut_c = lax.dot_general(oh_u, ut_ref[:, col], dn,
                           preferred_element_type=jnp.float32,
                           precision=lax.Precision.DEFAULT)
    halves.append(g_ref[...] + p_ref[...] + tt_c + ut_c)
  xa, xb = halves
  mu = (jnp.sum(xa, -1, keepdims=True) + jnp.sum(xb, -1, keepdims=True)) \
      * jnp.float32(1.0 / H)
  xca = xa - mu
  xcb = xb - mu
  var = (jnp.sum(xca * xca, -1, keepdims=True)
         + jnp.sum(xcb * xcb, -1, keepdims=True)) * jnp.float32(1.0 / H)
  r = lax.rsqrt(var + 1e-5)
  out_ref[:, pl.ds(0, HH)] = xca * r * gamma_ref[:, pl.ds(0, HH)] \
      + beta_ref[:, pl.ds(0, HH)]
  out_ref[:, pl.ds(HH, HH)] = xcb * r * gamma_ref[:, pl.ds(HH, HH)] \
      + beta_ref[:, pl.ds(HH, HH)]


def _tc_embed_ln(seg, prev_out, gath, pos_used, tt_ids, ut_ids, tt_emb, ut_emb,
                 gamma2, beta2):
  nsh = S // TOK
  nbh = B // NSEG
  base = seg * nbh
  body = _tc_embed_ln_body
  if prev_out is not None:
    body = lambda prev_ref, *refs: _tc_embed_ln_body(*refs)
  in_specs = [
      pl.BlockSpec((TOK, HH), lambda sh, b: (b * nsh + sh, 0)),
      pl.BlockSpec((TOK, HH), lambda sh, b: (b * nsh + sh, 1)),
      pl.BlockSpec((TOK, HH), lambda sh, b: (sh, 0)),
      pl.BlockSpec((TOK, HH), lambda sh, b: (sh, 1)),
      pl.BlockSpec((1, 1, TOK), lambda sh, b, base=base, nsh=nsh:
                   ((base + b) * nsh + sh, 0, 0)),
      pl.BlockSpec((1, 1, TOK), lambda sh, b, base=base, nsh=nsh:
                   ((base + b) * nsh + sh, 0, 0)),
      pl.BlockSpec((2, H), lambda sh, b: (0, 0)),
      pl.BlockSpec((8, H), lambda sh, b: (0, 0)),
      pl.BlockSpec((1, H), lambda sh, b: (0, 0)),
      pl.BlockSpec((1, H), lambda sh, b: (0, 0)),
  ]
  args = (gath, gath, pos_used, pos_used, tt_ids, ut_ids, tt_emb, ut_emb,
          gamma2, beta2)
  aliases = {}
  if prev_out is not None:
    in_specs = [pl.BlockSpec(memory_space=pl.ANY)] + in_specs
    args = (prev_out,) + args
    aliases = {0: 0}
  return pl.pallas_call(
      body,
      grid=(nsh, nbh),
      in_specs=in_specs,
      out_specs=pl.BlockSpec((TOK, H), lambda sh, b, base=base, nsh=nsh:
                             ((base + b) * nsh + sh, 0)),
      out_shape=jax.ShapeDtypeStruct((T, H), jnp.float32),
      input_output_aliases=aliases,
  )(*args)


def kernel(input_ids, token_type_ids, user_type_ids, word_emb, pos_emb, tt_emb,
           ut_emb, gamma, beta):
  pos_used = lax.slice(pos_emb, (OFFSET, 0), (OFFSET + S, H))
  tt_ids = token_type_ids.reshape(T // TOK, 1, TOK).astype(jnp.int32)
  ut_ids = user_type_ids.reshape(T // TOK, 1, TOK).astype(jnp.int32)
  gamma2 = gamma.reshape(1, H)
  beta2 = beta.reshape(1, H)
  ids_seg = input_ids.reshape(NSEG, NW * NCHUNK, CHUNK).astype(jnp.int32)

  gaths = [_sc_gather(word_emb, ids_seg[s]) for s in range(NSEG)]
  out = None
  for s in range(NSEG):
    out = _tc_embed_ln(s, out, gaths[s], pos_used, tt_ids, ut_ids,
                       tt_emb, ut_emb, gamma2, beta2)
  return out.reshape(B, S, H)

# --- scband reference (transcript-rebuilt; emitter-appended) ---
"""Pipeline reference for scband-bart-embeddings-with-user-type-72550587564131 (READ-ONLY COPY).

The authoritative reference and input builder live on the scoring server;
editing this copy changes nothing except your own understanding.
"""

import jax, jax.numpy as jnp
import numpy as np

B, S, H = 4, 2048, 1024
VOCAB = 50265
MAX_POS = 2048
OFFSET = 2  # BartLearnedPositionalEmbedding offset
TYPE_V = 2
USER_V = 8
PAD_ID = 1


def setup_inputs(seed: int = 0) -> dict:
    key = jax.random.key(seed)
    ks = jax.random.split(key, 8)
    input_ids = jax.random.randint(ks[0], (B, S), 0, VOCAB)
    token_type_ids = jax.random.randint(ks[1], (B, S), 0, TYPE_V)
    user_type_ids = jax.random.randint(ks[2], (B, S), 0, USER_V)
    word_emb = jax.random.normal(ks[3], (VOCAB, H), dtype=jnp.float32) * 0.02
    # padding_idx row is zero in nn.Embedding
    word_emb = word_emb.at[PAD_ID].set(0.0)
    pos_emb = jax.random.normal(ks[4], (MAX_POS + OFFSET, H), dtype=jnp.float32) * 0.02
    tt_emb = jax.random.normal(ks[5], (TYPE_V, H), dtype=jnp.float32) * 0.02
    ut_emb = jax.random.normal(ks[6], (USER_V, H), dtype=jnp.float32) * 0.02
    gamma = jnp.ones((H,), dtype=jnp.float32)
    beta = jnp.zeros((H,), dtype=jnp.float32)
    return {
        "input_ids": input_ids,
        "token_type_ids": token_type_ids,
        "user_type_ids": user_type_ids,
        "word_emb": word_emb,
        "pos_emb": pos_emb,
        "tt_emb": tt_emb,
        "ut_emb": ut_emb,
        "gamma": gamma,
        "beta": beta,
    }


def reference(input_ids, token_type_ids, user_type_ids, word_emb, pos_emb, tt_emb, ut_emb, gamma, beta):
    past_key_values_length = 0
    seq_len = input_ids.shape[1]
    inputs_embeds = jnp.take(word_emb, input_ids, axis=0)
    positions = jnp.arange(past_key_values_length, past_key_values_length + seq_len) + OFFSET
    position_embeddings = jnp.take(pos_emb, positions, axis=0)[None, :, :]
    token_type_embeddings = jnp.take(tt_emb, token_type_ids, axis=0)
    user_type_embeddings = jnp.take(ut_emb, user_type_ids, axis=0)
    embeddings = inputs_embeds + position_embeddings + token_type_embeddings + user_type_embeddings
    mu = jnp.mean(embeddings, axis=-1, keepdims=True)
    var = jnp.var(embeddings, axis=-1, keepdims=True)
    normed = (embeddings - mu) / jnp.sqrt(var + 1e-5)
    out = normed * gamma + beta
    # dropout is identity in eval mode
    return out

if __name__ == "__main__":
    import jax
    _d = setup_inputs()
    print(jax.jit(kernel)(*tuple(_d.values())))

</pallas_src>

<mosaic_0001>
#map = affine_map<(d0, d1) -> (0, 0)>
module attributes {stable_mosaic.version = 14 : i64} {
  func.func @gather_kernel(%arg0: i32, %arg1: i32, %arg2: memref<50265x1024xf32, #tpu.memory_space<hbm>>, %arg3: memref<256x32xi32, #tpu.memory_space<hbm>>, %arg4: memref<8192x1024xf32, #tpu.memory_space<hbm>>, %arg5: memref<8x32xi32, #tpu.memory_space<vmem>>, %arg6: memref<32x1024xf32, #tpu.memory_space<vmem>>, %arg7: memref<32x1024xf32, #tpu.memory_space<vmem>>, %arg8: memref<32x1024xf32, #tpu.memory_space<vmem>>, %arg9: memref<!tpu.dma_semaphore, #tpu.memory_space<semaphore_mem>>, %arg10: memref<!tpu.dma_semaphore, #tpu.memory_space<semaphore_mem>>, %arg11: memref<!tpu.dma_semaphore, #tpu.memory_space<semaphore_mem>>, %arg12: memref<!tpu.dma_semaphore, #tpu.memory_space<semaphore_mem>>, %arg13: memref<!tpu.dma_semaphore, #tpu.memory_space<semaphore_mem>>, %arg14: memref<!tpu.dma_semaphore, #tpu.memory_space<semaphore_mem>>) attributes {dimension_semantics = [#tpu.dimension_semantics<core_parallel>, #tpu.dimension_semantics<subcore_parallel>], iteration_bounds = array<i64: 2, 16>, scalar_prefetch = 0 : i64, scratch_operands = 10 : i64, tpu.core_type = #tpu.core_type<sc_vector_subcore>, window_params = [{transform_indices = #map}, {transform_indices = #map}, {transform_indices = #map}]} {
    %mul3A = arith.constant 2 : i32
    %mul3A_0 = arith.muli %arg1, %mul3A : i32
    %add3A = arith.addi %mul3A_0, %arg0 : i32
    %mul3A_1 = arith.constant 8 : i32
    %mul3A_2 = arith.muli %add3A, %mul3A_1 : i32
    "tpu.region"() ({
      %run_scoped3A = tpu.sem_alloc : memref<!tpu.dma_semaphore, #tpu.memory_space<semaphore_mem>>
      %dma_start3A_209 = arith.constant 0 : i32
      %dma_start3A_210 = tpu.memref_slice %arg3[%mul3A_2, %dma_start3A_209] : memref<256x32xi32, #tpu.memory_space<hbm>> -> memref<8x32xi32, #tpu.memory_space<hbm>>
      %dma_start3A_211 = arith.constant 0 : i32
      %dma_start3A_212 = tpu.memref_slice %arg3[%mul3A_2, %dma_start3A_211] : memref<256x32xi32, #tpu.memory_space<hbm>> -> memref<8x32xi32, #tpu.memory_space<hbm>>
      tpu.enqueue_dma source(%dma_start3A_212 : memref<8x32xi32, #tpu.memory_space<hbm>>) target(%arg5 : memref<8x32xi32, #tpu.memory_space<vmem>>) target_semaphore(%run_scoped3A : memref<!tpu.dma_semaphore, #tpu.memory_space<semaphore_mem>>)
      %dma_wait3A_213 = arith.constant 0 : i32
      %dma_wait3A_214 = tpu.memref_slice %arg3[%mul3A_2, %dma_wait3A_213] : memref<256x32xi32, #tpu.memory_space<hbm>> -> memref<8x32xi32, #tpu.memory_space<hbm>>
      %dma_wait3A_215 = arith.constant 0 : i32
      %dma_wait3A_216 = tpu.memref_slice %arg3[%mul3A_2, %dma_wait3A_215] : memref<256x32xi32, #tpu.memory_space<hbm>> -> memref<8x32xi32, #tpu.memory_space<hbm>>
      tpu.wait_dma2 semaphore(%run_scoped3A : memref<!tpu.dma_semaphore, #tpu.memory_space<semaphore_mem>>) src(%dma_wait3A_216 : memref<8x32xi32, #tpu.memory_space<hbm>>) dst(%arg5 : memref<8x32xi32, #tpu.memory_space<vmem>>)
      tpu.yield
    }) : () -> ()
    %dma_start3A = arith.constant 0 : i32
    %dma_start3A_3 = arith.constant 0 : i32
    %dma_start3A_4 = tpu.memref_slice %arg5[%dma_start3A, %dma_start3A_3] : memref<8x32xi32, #tpu.memory_space<vmem>> -> memref<1x32xi32, #tpu.memory_space<vmem>>
    %dma_start3A_5 = tpu.memref_squeeze %dma_start3A_4 : memref<1x32xi32, #tpu.memory_space<vmem>> -> memref<32xi32, #tpu.memory_space<vmem>>
    %dma_start3A_6 = arith.constant 0 : i32
    %dma_start3A_7 = arith.constant 0 : i32
    %dma_start3A_8 = tpu.memref_slice %arg2[%dma_start3A_6, %dma_start3A_7] : memref<50265x1024xf32, #tpu.memory_space<hbm>> -> memref<50265x1024xf32, #tpu.memory_space<hbm>>
    tpu.enqueue_indirect_dma source(%dma_start3A_8 : memref<50265x1024xf32, #tpu.memory_space<hbm>>) target(%arg6 : memref<32x1024xf32, #tpu.memory_space<vmem>>) offsets(%dma_start3A_5 : memref<32xi32, #tpu.memory_space<vmem>>) semaphore(%arg9 : memref<!tpu.dma_semaphore, #tpu.memory_space<semaphore_mem>>)
    %dma_start3A_9 = arith.constant 1 : i32
    %dma_start3A_10 = arith.constant 0 : i32
    %dma_start3A_11 = tpu.memref_slice %arg5[%dma_start3A_9, %dma_start3A_10] : memref<8x32xi32, #tpu.memory_space<vmem>> -> memref<1x32xi32, #tpu.memory_space<vmem>>
    %dma_start3A_12 = tpu.memref_squeeze %dma_start3A_11 : memref<1x32xi32, #tpu.memory_space<vmem>> -> memref<32xi32, #tpu.memory_space<vmem>>
    %dma_start3A_13 = arith.constant 0 : i32
    %dma_start3A_14 = arith.constant 0 : i32
    %dma_start3A_15 = tpu.memref_slice %arg2[%dma_start3A_13, %dma_start3A_14] : memref<50265x1024xf32, #tpu.memory_space<hbm>> -> memref<50265x1024xf32, #tpu.memory_space<hbm>>
    tpu.enqueue_indirect_dma source(%dma_start3A_15 : memref<50265x1024xf32, #tpu.memory_space<hbm>>) target(%arg7 : memref<32x1024xf32, #tpu.memory_space<vmem>>) offsets(%dma_start3A_12 : memref<32xi32, #tpu.memory_space<vmem>>) semaphore(%arg10 : memref<!tpu.dma_semaphore, #tpu.memory_space<semaphore_mem>>)
    %dma_start3A_16 = arith.constant 2 : i32
    %dma_start3A_17 = arith.constant 0 : i32
    %dma_start3A_18 = tpu.memref_slice %arg5[%dma_start3A_16, %dma_start3A_17] : memref<8x32xi32, #tpu.memory_space<vmem>> -> memref<1x32xi32, #tpu.memory_space<vmem>>
    %dma_start3A_19 = tpu.memref_squeeze %dma_start3A_18 : memref<1x32xi32, #tpu.memory_space<vmem>> -> memref<32xi32, #tpu.memory_space<vmem>>
    %dma_start3A_20 = arith.constant 0 : i32
    %dma_start3A_21 = arith.constant 0 : i32
    %dma_start3A_22 = tpu.memref_slice %arg2[%dma_start3A_20, %dma_start3A_21] : memref<50265x1024xf32, #tpu.memory_space<hbm>> -> memref<50265x1024xf32, #tpu.memory_space<hbm>>
    tpu.enqueue_indirect_dma source(%dma_start3A_22 : memref<50265x1024xf32, #tpu.memory_space<hbm>>) target(%arg8 : memref<32x1024xf32, #tpu.memory_space<vmem>>) offsets(%dma_start3A_19 : memref<32xi32, #tpu.memory_space<vmem>>) semaphore(%arg11 : memref<!tpu.dma_semaphore, #tpu.memory_space<semaphore_mem>>)
    %dma_wait3A = arith.constant 0 : i32
    %dma_wait3A_23 = arith.constant 0 : i32
    %dma_wait3A_24 = tpu.memref_slice %arg5[%dma_wait3A, %dma_wait3A_23] : memref<8x32xi32, #tpu.memory_space<vmem>> -> memref<1x32xi32, #tpu.memory_space<vmem>>
    %dma_wait3A_25 = tpu.memref_squeeze %dma_wait3A_24 : memref<1x32xi32, #tpu.memory_space<vmem>> -> memref<32xi32, #tpu.memory_space<vmem>>
    %dma_wait3A_26 = arith.constant 0 : i32
    %dma_wait3A_27 = arith.constant 0 : i32
    %dma_wait3A_28 = tpu.memref_slice %arg2[%dma_wait3A_26, %dma_wait3A_27] : memref<50265x1024xf32, #tpu.memory_space<hbm>> -> memref<50265x1024xf32, #tpu.memory_space<hbm>>
    tpu.wait_indirect_dma semaphore(%arg9 : memref<!tpu.dma_semaphore, #tpu.memory_space<semaphore_mem>>) src(%dma_wait3A_28 : memref<50265x1024xf32, #tpu.memory_space<hbm>>) dst(%arg6 : memref<32x1024xf32, #tpu.memory_space<vmem>>)
    %add3A_29 = arith.constant 0 : i32
    %add3A_30 = arith.addi %mul3A_2, %add3A_29 : i32
    %mul3A_31 = arith.constant 32 : i32
    %mul3A_32 = arith.muli %add3A_30, %mul3A_31 : i32
    %dma_start3A_33 = arith.constant 0 : i32
    %dma_start3A_34 = tpu.memref_slice %arg4[%mul3A_32, %dma_start3A_33] : memref<8192x1024xf32, #tpu.memory_space<hbm>> -> memref<32x1024xf32, #tpu.memory_space<hbm>>
    %dma_start3A_35 = arith.constant 0 : i32
    %dma_start3A_36 = tpu.memref_slice %arg4[%mul3A_32, %dma_start3A_35] : memref<8192x1024xf32, #tpu.memory_space<hbm>> -> memref<32x1024xf32, #tpu.memory_space<hbm>>
    tpu.enqueue_dma source(%arg6 : memref<32x1024xf32, #tpu.memory_space<vmem>>) target(%dma_start3A_36 : memref<32x1024xf32, #tpu.memory_space<hbm>>) target_semaphore(%arg12 : memref<!tpu.dma_semaphore, #tpu.memory_space<semaphore_mem>>)
    %dma_wait3A_37 = arith.constant 0 : i32
    %dma_wait3A_38 = tpu.memref_slice %arg4[%mul3A_32, %dma_wait3A_37] : memref<8192x1024xf32, #tpu.memory_space<hbm>> -> memref<32x1024xf32, #tpu.memory_space<hbm>>
    %dma_wait3A_39 = arith.constant 0 : i32
    %dma_wait3A_40 = tpu.memref_slice %arg4[%mul3A_32, %dma_wait3A_39] : memref<8192x1024xf32, #tpu.memory_space<hbm>> -> memref<32x1024xf32, #tpu.memory_space<hbm>>
    tpu.wait_dma2 semaphore(%arg12 : memref<!tpu.dma_semaphore, #tpu.memory_space<semaphore_mem>>) src(%arg6 : memref<32x1024xf32, #tpu.memory_space<vmem>>) dst(%dma_wait3A_40 : memref<32x1024xf32, #tpu.memory_space<hbm>>)
    %dma_start3A_41 = arith.constant 3 : i32
    %dma_start3A_42 = arith.constant 0 : i32
    %dma_start3A_43 = tpu.memref_slice %arg5[%dma_start3A_41, %dma_start3A_42] : memref<8x32xi32, #tpu.memory_space<vmem>> -> memref<1x32xi32, #tpu.memory_space<vmem>>
    %dma_start3A_44 = tpu.memref_squeeze %dma_start3A_43 : memref<1x32xi32, #tpu.memory_space<vmem>> -> memref<32xi32, #tpu.memory_space<vmem>>
    %dma_start3A_45 = arith.constant 0 : i32
    %dma_start3A_46 = arith.constant 0 : i32
    %dma_start3A_47 = tpu.memref_slice %arg2[%dma_start3A_45, %dma_start3A_46] : memref<50265x1024xf32, #tpu.memory_space<hbm>> -> memref<50265x1024xf32, #tpu.memory_space<hbm>>
    tpu.enqueue_indirect_dma source(%dma_start3A_47 : memref<50265x1024xf32, #tpu.memory_space<hbm>>) target(%arg6 : memref<32x1024xf32, #tpu.memory_space<vmem>>) offsets(%dma_start3A_44 : memref<32xi32, #tpu.memory_space<vmem>>) semaphore(%arg9 : memref<!tpu.dma_semaphore, #tpu.memory_space<semaphore_mem>>)
    %dma_wait3A_48 = arith.constant 1 : i32
    %dma_wait3A_49 = arith.constant 0 : i32
    %dma_wait3A_50 = tpu.memref_slice %arg5[%dma_wait3A_48, %dma_wait3A_49] : memref<8x32xi32, #tpu.memory_space<vmem>> -> memref<1x32xi32, #tpu.memory_space<vmem>>
    %dma_wait3A_51 = tpu.memref_squeeze %dma_wait3A_50 : memref<1x32xi32, #tpu.memory_space<vmem>> -> memref<32xi32, #tpu.memory_space<vmem>>
    %dma_wait3A_52 = arith.constant 0 : i32
    %dma_wait3A_53 = arith.constant 0 : i32
    %dma_wait3A_54 = tpu.memref_slice %arg2[%dma_wait3A_52, %dma_wait3A_53] : memref<50265x1024xf32, #tpu.memory_space<hbm>> -> memref<50265x1024xf32, #tpu.memory_space<hbm>>
    tpu.wait_indirect_dma semaphore(%arg10 : memref<!tpu.dma_semaphore, #tpu.memory_space<semaphore_mem>>) src(%dma_wait3A_54 : memref<50265x1024xf32, #tpu.memory_space<hbm>>) dst(%arg7 : memref<32x1024xf32, #tpu.memory_space<vmem>>)
    %add3A_55 = arith.constant 1 : i32
    %add3A_56 = arith.addi %mul3A_2, %add3A_55 : i32
    %mul3A_57 = arith.constant 32 : i32
    %mul3A_58 = arith.muli %add3A_56, %mul3A_57 : i32
    %dma_start3A_59 = arith.constant 0 : i32
    %dma_start3A_60 = tpu.memref_slice %arg4[%mul3A_58, %dma_start3A_59] : memref<8192x1024xf32, #tpu.memory_space<hbm>> -> memref<32x1024xf32, #tpu.memory_space<hbm>>
    %dma_start3A_61 = arith.constant 0 : i32
    %dma_start3A_62 = tpu.memref_slice %arg4[%mul3A_58, %dma_start3A_61] : memref<8192x1024xf32, #tpu.memory_space<hbm>> -> memref<32x1024xf32, #tpu.memory_space<hbm>>
    tpu.enqueue_dma source(%arg7 : memref<32x1024xf32, #tpu.memory_space<vmem>>) target(%dma_start3A_62 : memref<32x1024xf32, #tpu.memory_space<hbm>>) target_semaphore(%arg13 : memref<!tpu.dma_semaphore, #tpu.memory_space<semaphore_mem>>)
    %dma_wait3A_63 = arith.constant 0 : i32
    %dma_wait3A_64 = tpu.memref_slice %arg4[%mul3A_58, %dma_wait3A_63] : memref<8192x1024xf32, #tpu.memory_space<hbm>> -> memref<32x1024xf32, #tpu.memory_space<hbm>>
    %dma_wait3A_65 = arith.constant 0 : i32
    %dma_wait3A_66 = tpu.memref_slice %arg4[%mul3A_58, %dma_wait3A_65] : memref<8192x1024xf32, #tpu.memory_space<hbm>> -> memref<32x1024xf32, #tpu.memory_space<hbm>>
    tpu.wait_dma2 semaphore(%arg13 : memref<!tpu.dma_semaphore, #tpu.memory_space<semaphore_mem>>) src(%arg7 : memref<32x1024xf32, #tpu.memory_space<vmem>>) dst(%dma_wait3A_66 : memref<32x1024xf32, #tpu.memory_space<hbm>>)
    %dma_start3A_67 = arith.constant 4 : i32
    %dma_start3A_68 = arith.constant 0 : i32
    %dma_start3A_69 = tpu.memref_slice %arg5[%dma_start3A_67, %dma_start3A_68] : memref<8x32xi32, #tpu.memory_space<vmem>> -> memref<1x32xi32, #tpu.memory_space<vmem>>
    %dma_start3A_70 = tpu.memref_squeeze %dma_start3A_69 : memref<1x32xi32, #tpu.memory_space<vmem>> -> memref<32xi32, #tpu.memory_space<vmem>>
    %dma_start3A_71 = arith.constant 0 : i32
    %dma_start3A_72 = arith.constant 0 : i32
    %dma_start3A_73 = tpu.memref_slice %arg2[%dma_start3A_71, %dma_start3A_72] : memref<50265x1024xf32, #tpu.memory_space<hbm>> -> memref<50265x1024xf32, #tpu.memory_space<hbm>>
    tpu.enqueue_indirect_dma source(%dma_start3A_73 : memref<50265x1024xf32, #tpu.memory_space<hbm>>) target(%arg7 : memref<32x1024xf32, #tpu.memory_space<vmem>>) offsets(%dma_start3A_70 : memref<32xi32, #tpu.memory_space<vmem>>) semaphore(%arg10 : memref<!tpu.dma_semaphore, #tpu.memory_space<semaphore_mem>>)
    %dma_wait3A_74 = arith.constant 2 : i32
    %dma_wait3A_75 = arith.constant 0 : i32
    %dma_wait3A_76 = tpu.memref_slice %arg5[%dma_wait3A_74, %dma_wait3A_75] : memref<8x32xi32, #tpu.memory_space<vmem>> -> memref<1x32xi32, #tpu.memory_space<vmem>>
    %dma_wait3A_77 = tpu.memref_squeeze %dma_wait3A_76 : memref<1x32xi32, #tpu.memory_space<vmem>> -> memref<32xi32, #tpu.memory_space<vmem>>
    %dma_wait3A_78 = arith.constant 0 : i32
    %dma_wait3A_79 = arith.constant 0 : i32
    %dma_wait3A_80 = tpu.memref_slice %arg2[%dma_wait3A_78, %dma_wait3A_79] : memref<50265x1024xf32, #tpu.memory_space<hbm>> -> memref<50265x1024xf32, #tpu.memory_space<hbm>>
    tpu.wait_indirect_dma semaphore(%arg11 : memref<!tpu.dma_semaphore, #tpu.memory_space<semaphore_mem>>) src(%dma_wait3A_80 : memref<50265x1024xf32, #tpu.memory_space<hbm>>) dst(%arg8 : memref<32x1024xf32, #tpu.memory_space<vmem>>)
    %add3A_81 = arith.constant 2 : i32
    %add3A_82 = arith.addi %mul3A_2, %add3A_81 : i32
    %mul3A_83 = arith.constant 32 : i32
    %mul3A_84 = arith.muli %add3A_82, %mul3A_83 : i32
    %dma_start3A_85 = arith.constant 0 : i32
    %dma_start3A_86 = tpu.memref_slice %arg4[%mul3A_84, %dma_start3A_85] : memref<8192x1024xf32, #tpu.memory_space<hbm>> -> memref<32x1024xf32, #tpu.memory_space<hbm>>
    %dma_start3A_87 = arith.constant 0 : i32
    %dma_start3A_88 = tpu.memref_slice %arg4[%mul3A_84, %dma_start3A_87] : memref<8192x1024xf32, #tpu.memory_space<hbm>> -> memref<32x1024xf32, #tpu.memory_space<hbm>>
    tpu.enqueue_dma source(%arg8 : memref<32x1024xf32, #tpu.memory_space<vmem>>) target(%dma_start3A_88 : memref<32x1024xf32, #tpu.memory_space<hbm>>) target_semaphore(%arg14 : memref<!tpu.dma_semaphore, #tpu.memory_space<semaphore_mem>>)
    %dma_wait3A_89 = arith.constant 0 : i32
    %dma_wait3A_90 = tpu.memref_slice %arg4[%mul3A_84, %dma_wait3A_89] : memref<8192x1024xf32, #tpu.memory_space<hbm>> -> memref<32x1024xf32, #tpu.memory_space<hbm>>
    %dma_wait3A_91 = arith.constant 0 : i32
    %dma_wait3A_92 = tpu.memref_slice %arg4[%mul3A_84, %dma_wait3A_91] : memref<8192x1024xf32, #tpu.memory_space<hbm>> -> memref<32x1024xf32, #tpu.memory_space<hbm>>
    tpu.wait_dma2 semaphore(%arg14 : memref<!tpu.dma_semaphore, #tpu.memory_space<semaphore_mem>>) src(%arg8 : memref<32x1024xf32, #tpu.memory_space<vmem>>) dst(%dma_wait3A_92 : memref<32x1024xf32, #tpu.memory_space<hbm>>)
    %dma_start3A_93 = arith.constant 5 : i32
    %dma_start3A_94 = arith.constant 0 : i32
    %dma_start3A_95 = tpu.memref_slice %arg5[%dma_start3A_93, %dma_start3A_94] : memref<8x32xi32, #tpu.memory_space<vmem>> -> memref<1x32xi32, #tpu.memory_space<vmem>>
    %dma_start3A_96 = tpu.memref_squeeze %dma_start3A_95 : memref<1x32xi32, #tpu.memory_space<vmem>> -> memref<32xi32, #tpu.memory_space<vmem>>
    %dma_start3A_97 = arith.constant 0 : i32
    %dma_start3A_98 = arith.constant 0 : i32
    %dma_start3A_99 = tpu.memref_slice %arg2[%dma_start3A_97, %dma_start3A_98] : memref<50265x1024xf32, #tpu.memory_space<hbm>> -> memref<50265x1024xf32, #tpu.memory_space<hbm>>
    tpu.enqueue_indirect_dma source(%dma_start3A_99 : memref<50265x1024xf32, #tpu.memory_space<hbm>>) target(%arg8 : memref<32x1024xf32, #tpu.memory_space<vmem>>) offsets(%dma_start3A_96 : memref<32xi32, #tpu.memory_space<vmem>>) semaphore(%arg11 : memref<!tpu.dma_semaphore, #tpu.memory_space<semaphore_mem>>)
    %dma_wait3A_100 = arith.constant 3 : i32
    %dma_wait3A_101 = arith.constant 0 : i32
    %dma_wait3A_102 = tpu.memref_slice %arg5[%dma_wait3A_100, %dma_wait3A_101] : memref<8x32xi32, #tpu.memory_space<vmem>> -> memref<1x32xi32, #tpu.memory_space<vmem>>
    %dma_wait3A_103 = tpu.memref_squeeze %dma_wait3A_102 : memref<1x32xi32, #tpu.memory_space<vmem>> -> memref<32xi32, #tpu.memory_space<vmem>>
    %dma_wait3A_104 = arith.constant 0 : i32
    %dma_wait3A_105 = arith.constant 0 : i32
    %dma_wait3A_106 = tpu.memref_slice %arg2[%dma_wait3A_104, %dma_wait3A_105] : memref<50265x1024xf32, #tpu.memory_space<hbm>> -> memref<50265x1024xf32, #tpu.memory_space<hbm>>
    tpu.wait_indirect_dma semaphore(%arg9 : memref<!tpu.dma_semaphore, #tpu.memory_space<semaphore_mem>>) src(%dma_wait3A_106 : memref<50265x1024xf32, #tpu.memory_space<hbm>>) dst(%arg6 : memref<32x1024xf32, #tpu.memory_space<vmem>>)
    %add3A_107 = arith.constant 3 : i32
    %add3A_108 = arith.addi %mul3A_2, %add3A_107 : i32
    %mul3A_109 = arith.constant 32 : i32
    %mul3A_110 = arith.muli %add3A_108, %mul3A_109 : i32
    %dma_start3A_111 = arith.constant 0 : i32
    %dma_start3A_112 = tpu.memref_slice %arg4[%mul3A_110, %dma_start3A_111] : memref<8192x1024xf32, #tpu.memory_space<hbm>> -> memref<32x1024xf32, #tpu.memory_space<hbm>>
    %dma_start3A_113 = arith.constant 0 : i32
    %dma_start3A_114 = tpu.memref_slice %arg4[%mul3A_110, %dma_start3A_113] : memref<8192x1024xf32, #tpu.memory_space<hbm>> -> memref<32x1024xf32, #tpu.memory_space<hbm>>
    tpu.enqueue_dma source(%arg6 : memref<32x1024xf32, #tpu.memory_space<vmem>>) target(%dma_start3A_114 : memref<32x1024xf32, #tpu.memory_space<hbm>>) target_semaphore(%arg12 : memref<!tpu.dma_semaphore, #tpu.memory_space<semaphore_mem>>)
    %dma_wait3A_115 = arith.constant 0 : i32
    %dma_wait3A_116 = tpu.memref_slice %arg4[%mul3A_110, %dma_wait3A_115] : memref<8192x1024xf32, #tpu.memory_space<hbm>> -> memref<32x1024xf32, #tpu.memory_space<hbm>>
    %dma_wait3A_117 = arith.constant 0 : i32
    %dma_wait3A_118 = tpu.memref_slice %arg4[%mul3A_110, %dma_wait3A_117] : memref<8192x1024xf32, #tpu.memory_space<hbm>> -> memref<32x1024xf32, #tpu.memory_space<hbm>>
    tpu.wait_dma2 semaphore(%arg12 : memref<!tpu.dma_semaphore, #tpu.memory_space<semaphore_mem>>) src(%arg6 : memref<32x1024xf32, #tpu.memory_space<vmem>>) dst(%dma_wait3A_118 : memref<32x1024xf32, #tpu.memory_space<hbm>>)
    %dma_start3A_119 = arith.constant 6 : i32
    %dma_start3A_120 = arith.constant 0 : i32
    %dma_start3A_121 = tpu.memref_slice %arg5[%dma_start3A_119, %dma_start3A_120] : memref<8x32xi32, #tpu.memory_space<vmem>> -> memref<1x32xi32, #tpu.memory_space<vmem>>
    %dma_start3A_122 = tpu.memref_squeeze %dma_start3A_121 : memref<1x32xi32, #tpu.memory_space<vmem>> -> memref<32xi32, #tpu.memory_space<vmem>>
    %dma_start3A_123 = arith.constant 0 : i32
    %dma_start3A_124 = arith.constant 0 : i32
    %dma_start3A_125 = tpu.memref_slice %arg2[%dma_start3A_123, %dma_start3A_124] : memref<50265x1024xf32, #tpu.memory_space<hbm>> -> memref<50265x1024xf32, #tpu.memory_space<hbm>>
    tpu.enqueue_indirect_dma source(%dma_start3A_125 : memref<50265x1024xf32, #tpu.memory_space<hbm>>) target(%arg6 : memref<32x1024xf32, #tpu.memory_space<vmem>>) offsets(%dma_start3A_122 : memref<32xi32, #tpu.memory_space<vmem>>) semaphore(%arg9 : memref<!tpu.dma_semaphore, #tpu.memory_space<semaphore_mem>>)
    %dma_wait3A_126 = arith.constant 4 : i32
    %dma_wait3A_127 = arith.constant 0 : i32
    %dma_wait3A_128 = tpu.memref_slice %arg5[%dma_wait3A_126, %dma_wait3A_127] : memref<8x32xi32, #tpu.memory_space<vmem>> -> memref<1x32xi32, #tpu.memory_space<vmem>>
    %dma_wait3A_129 = tpu.memref_squeeze %dma_wait3A_128 : memref<1x32xi32, #tpu.memory_space<vmem>> -> memref<32xi32, #tpu.memory_space<vmem>>
    %dma_wait3A_130 = arith.constant 0 : i32
    %dma_wait3A_131 = arith.constant 0 : i32
    %dma_wait3A_132 = tpu.memref_slice %arg2[%dma_wait3A_130, %dma_wait3A_131] : memref<50265x1024xf32, #tpu.memory_space<hbm>> -> memref<50265x1024xf32, #tpu.memory_space<hbm>>
    tpu.wait_indirect_dma semaphore(%arg10 : memref<!tpu.dma_semaphore, #tpu.memory_space<semaphore_mem>>) src(%dma_wait3A_132 : memref<50265x1024xf32, #tpu.memory_space<hbm>>) dst(%arg7 : memref<32x1024xf32, #tpu.memory_space<vmem>>)
    %add3A_133 = arith.constant 4 : i32
    %add3A_134 = arith.addi %mul3A_2, %add3A_133 : i32
    %mul3A_135 = arith.constant 32 : i32
    %mul3A_136 = arith.muli %add3A_134, %mul3A_135 : i32
    %dma_start3A_137 = arith.constant 0 : i32
    %dma_start3A_138 = tpu.memref_slice %arg4[%mul3A_136, %dma_start3A_137] : memref<8192x1024xf32, #tpu.memory_space<hbm>> -> memref<32x1024xf32, #tpu.memory_space<hbm>>
    %dma_start3A_139 = arith.constant 0 : i32
    %dma_start3A_140 = tpu.memref_slice %arg4[%mul3A_136, %dma_start3A_139] : memref<8192x1024xf32, #tpu.memory_space<hbm>> -> memref<32x1024xf32, #tpu.memory_space<hbm>>
    tpu.enqueue_dma source(%arg7 : memref<32x1024xf32, #tpu.memory_space<vmem>>) target(%dma_start3A_140 : memref<32x1024xf32, #tpu.memory_space<hbm>>) target_semaphore(%arg13 : memref<!tpu.dma_semaphore, #tpu.memory_space<semaphore_mem>>)
    %dma_wait3A_141 = arith.constant 0 : i32
    %dma_wait3A_142 = tpu.memref_slice %arg4[%mul3A_136, %dma_wait3A_141] : memref<8192x1024xf32, #tpu.memory_space<hbm>> -> memref<32x1024xf32, #tpu.memory_space<hbm>>
    %dma_wait3A_143 = arith.constant 0 : i32
    %dma_wait3A_144 = tpu.memref_slice %arg4[%mul3A_136, %dma_wait3A_143] : memref<8192x1024xf32, #tpu.memory_space<hbm>> -> memref<32x1024xf32, #tpu.memory_space<hbm>>
    tpu.wait_dma2 semaphore(%arg13 : memref<!tpu.dma_semaphore, #tpu.memory_space<semaphore_mem>>) src(%arg7 : memref<32x1024xf32, #tpu.memory_space<vmem>>) dst(%dma_wait3A_144 : memref<32x1024xf32, #tpu.memory_space<hbm>>)
    %dma_start3A_145 = arith.constant 7 : i32
    %dma_start3A_146 = arith.constant 0 : i32
    %dma_start3A_147 = tpu.memref_slice %arg5[%dma_start3A_145, %dma_start3A_146] : memref<8x32xi32, #tpu.memory_space<vmem>> -> memref<1x32xi32, #tpu.memory_space<vmem>>
    %dma_start3A_148 = tpu.memref_squeeze %dma_start3A_147 : memref<1x32xi32, #tpu.memory_space<vmem>> -> memref<32xi32, #tpu.memory_space<vmem>>
    %dma_start3A_149 = arith.constant 0 : i32
    %dma_start3A_150 = arith.constant 0 : i32
    %dma_start3A_151 = tpu.memref_slice %arg2[%dma_start3A_149, %dma_start3A_150] : memref<50265x1024xf32, #tpu.memory_space<hbm>> -> memref<50265x1024xf32, #tpu.memory_space<hbm>>
    tpu.enqueue_indirect_dma source(%dma_start3A_151 : memref<50265x1024xf32, #tpu.memory_space<hbm>>) target(%arg7 : memref<32x1024xf32, #tpu.memory_space<vmem>>) offsets(%dma_start3A_148 : memref<32xi32, #tpu.memory_space<vmem>>) semaphore(%arg10 : memref<!tpu.dma_semaphore, #tpu.memory_space<semaphore_mem>>)
    %dma_wait3A_152 = arith.constant 5 : i32
    %dma_wait3A_153 = arith.constant 0 : i32
    %dma_wait3A_154 = tpu.memref_slice %arg5[%dma_wait3A_152, %dma_wait3A_153] : memref<8x32xi32, #tpu.memory_space<vmem>> -> memref<1x32xi32, #tpu.memory_space<vmem>>
    %dma_wait3A_155 = tpu.memref_squeeze %dma_wait3A_154 : memref<1x32xi32, #tpu.memory_space<vmem>> -> memref<32xi32, #tpu.memory_space<vmem>>
    %dma_wait3A_156 = arith.constant 0 : i32
    %dma_wait3A_157 = arith.constant 0 : i32
    %dma_wait3A_158 = tpu.memref_slice %arg2[%dma_wait3A_156, %dma_wait3A_157] : memref<50265x1024xf32, #tpu.memory_space<hbm>> -> memref<50265x1024xf32, #tpu.memory_space<hbm>>
    tpu.wait_indirect_dma semaphore(%arg11 : memref<!tpu.dma_semaphore, #tpu.memory_space<semaphore_mem>>) src(%dma_wait3A_158 : memref<50265x1024xf32, #tpu.memory_space<hbm>>) dst(%arg8 : memref<32x1024xf32, #tpu.memory_space<vmem>>)
    %add3A_159 = arith.constant 5 : i32
    %add3A_160 = arith.addi %mul3A_2, %add3A_159 : i32
    %mul3A_161 = arith.constant 32 : i32
    %mul3A_162 = arith.muli %add3A_160, %mul3A_161 : i32
    %dma_start3A_163 = arith.constant 0 : i32
    %dma_start3A_164 = tpu.memref_slice %arg4[%mul3A_162, %dma_start3A_163] : memref<8192x1024xf32, #tpu.memory_space<hbm>> -> memref<32x1024xf32, #tpu.memory_space<hbm>>
    %dma_start3A_165 = arith.constant 0 : i32
    %dma_start3A_166 = tpu.memref_slice %arg4[%mul3A_162, %dma_start3A_165] : memref<8192x1024xf32, #tpu.memory_space<hbm>> -> memref<32x1024xf32, #tpu.memory_space<hbm>>
    tpu.enqueue_dma source(%arg8 : memref<32x1024xf32, #tpu.memory_space<vmem>>) target(%dma_start3A_166 : memref<32x1024xf32, #tpu.memory_space<hbm>>) target_semaphore(%arg14 : memref<!tpu.dma_semaphore, #tpu.memory_space<semaphore_mem>>)
    %dma_wait3A_167 = arith.constant 6 : i32
    %dma_wait3A_168 = arith.constant 0 : i32
    %dma_wait3A_169 = tpu.memref_slice %arg5[%dma_wait3A_167, %dma_wait3A_168] : memref<8x32xi32, #tpu.memory_space<vmem>> -> memref<1x32xi32, #tpu.memory_space<vmem>>
    %dma_wait3A_170 = tpu.memref_squeeze %dma_wait3A_169 : memref<1x32xi32, #tpu.memory_space<vmem>> -> memref<32xi32, #tpu.memory_space<vmem>>
    %dma_wait3A_171 = arith.constant 0 : i32
    %dma_wait3A_172 = arith.constant 0 : i32
    %dma_wait3A_173 = tpu.memref_slice %arg2[%dma_wait3A_171, %dma_wait3A_172] : memref<50265x1024xf32, #tpu.memory_space<hbm>> -> memref<50265x1024xf32, #tpu.memory_space<hbm>>
    tpu.wait_indirect_dma semaphore(%arg9 : memref<!tpu.dma_semaphore, #tpu.memory_space<semaphore_mem>>) src(%dma_wait3A_173 : memref<50265x1024xf32, #tpu.memory_space<hbm>>) dst(%arg6 : memref<32x1024xf32, #tpu.memory_space<vmem>>)
    %add3A_174 = arith.constant 6 : i32
    %add3A_175 = arith.addi %mul3A_2, %add3A_174 : i32
    %mul3A_176 = arith.constant 32 : i32
    %mul3A_177 = arith.muli %add3A_175, %mul3A_176 : i32
    %dma_start3A_178 = arith.constant 0 : i32
    %dma_start3A_179 = tpu.memref_slice %arg4[%mul3A_177, %dma_start3A_178] : memref<8192x1024xf32, #tpu.memory_space<hbm>> -> memref<32x1024xf32, #tpu.memory_space<hbm>>
    %dma_start3A_180 = arith.constant 0 : i32
    %dma_start3A_181 = tpu.memref_slice %arg4[%mul3A_177, %dma_start3A_180] : memref<8192x1024xf32, #tpu.memory_space<hbm>> -> memref<32x1024xf32, #tpu.memory_space<hbm>>
    tpu.enqueue_dma source(%arg6 : memref<32x1024xf32, #tpu.memory_space<vmem>>) target(%dma_start3A_181 : memref<32x1024xf32, #tpu.memory_space<hbm>>) target_semaphore(%arg12 : memref<!tpu.dma_semaphore, #tpu.memory_space<semaphore_mem>>)
    %dma_wait3A_182 = arith.constant 7 : i32
    %dma_wait3A_183 = arith.constant 0 : i32
    %dma_wait3A_184 = tpu.memref_slice %arg5[%dma_wait3A_182, %dma_wait3A_183] : memref<8x32xi32, #tpu.memory_space<vmem>> -> memref<1x32xi32, #tpu.memory_space<vmem>>
    %dma_wait3A_185 = tpu.memref_squeeze %dma_wait3A_184 : memref<1x32xi32, #tpu.memory_space<vmem>> -> memref<32xi32, #tpu.memory_space<vmem>>
    %dma_wait3A_186 = arith.constant 0 : i32
    %dma_wait3A_187 = arith.constant 0 : i32
    %dma_wait3A_188 = tpu.memref_slice %arg2[%dma_wait3A_186, %dma_wait3A_187] : memref<50265x1024xf32, #tpu.memory_space<hbm>> -> memref<50265x1024xf32, #tpu.memory_space<hbm>>
    tpu.wait_indirect_dma semaphore(%arg10 : memref<!tpu.dma_semaphore, #tpu.memory_space<semaphore_mem>>) src(%dma_wait3A_188 : memref<50265x1024xf32, #tpu.memory_space<hbm>>) dst(%arg7 : memref<32x1024xf32, #tpu.memory_space<vmem>>)
    %add3A_189 = arith.constant 7 : i32
    %add3A_190 = arith.addi %mul3A_2, %add3A_189 : i32
    %mul3A_191 = arith.constant 32 : i32
    %mul3A_192 = arith.muli %add3A_190, %mul3A_191 : i32
    %dma_start3A_193 = arith.constant 0 : i32
    %dma_start3A_194 = tpu.memref_slice %arg4[%mul3A_192, %dma_start3A_193] : memref<8192x1024xf32, #tpu.memory_space<hbm>> -> memref<32x1024xf32, #tpu.memory_space<hbm>>
    %dma_start3A_195 = arith.constant 0 : i32
    %dma_start3A_196 = tpu.memref_slice %arg4[%mul3A_192, %dma_start3A_195] : memref<8192x1024xf32, #tpu.memory_space<hbm>> -> memref<32x1024xf32, #tpu.memory_space<hbm>>
    tpu.enqueue_dma source(%arg7 : memref<32x1024xf32, #tpu.memory_space<vmem>>) target(%dma_start3A_196 : memref<32x1024xf32, #tpu.memory_space<hbm>>) target_semaphore(%arg13 : memref<!tpu.dma_semaphore, #tpu.memory_space<semaphore_mem>>)
    %dma_wait3A_197 = arith.constant 0 : i32
    %dma_wait3A_198 = tpu.memref_slice %arg4[%mul3A_177, %dma_wait3A_197] : memref<8192x1024xf32, #tpu.memory_space<hbm>> -> memref<32x1024xf32, #tpu.memory_space<hbm>>
    %dma_wait3A_199 = arith.constant 0 : i32
    %dma_wait3A_200 = tpu.memref_slice %arg4[%mul3A_177, %dma_wait3A_199] : memref<8192x1024xf32, #tpu.memory_space<hbm>> -> memref<32x1024xf32, #tpu.memory_space<hbm>>
    tpu.wait_dma2 semaphore(%arg12 : memref<!tpu.dma_semaphore, #tpu.memory_space<semaphore_mem>>) src(%arg6 : memref<32x1024xf32, #tpu.memory_space<vmem>>) dst(%dma_wait3A_200 : memref<32x1024xf32, #tpu.memory_space<hbm>>)
    %dma_wait3A_201 = arith.constant 0 : i32
    %dma_wait3A_202 = tpu.memref_slice %arg4[%mul3A_192, %dma_wait3A_201] : memref<8192x1024xf32, #tpu.memory_space<hbm>> -> memref<32x1024xf32, #tpu.memory_space<hbm>>
    %dma_wait3A_203 = arith.constant 0 : i32
    %dma_wait3A_204 = tpu.memref_slice %arg4[%mul3A_192, %dma_wait3A_203] : memref<8192x1024xf32, #tpu.memory_space<hbm>> -> memref<32x1024xf32, #tpu.memory_space<hbm>>
    tpu.wait_dma2 semaphore(%arg13 : memref<!tpu.dma_semaphore, #tpu.memory_space<semaphore_mem>>) src(%arg7 : memref<32x1024xf32, #tpu.memory_space<vmem>>) dst(%dma_wait3A_204 : memref<32x1024xf32, #tpu.memory_space<hbm>>)
    %dma_wait3A_205 = arith.constant 0 : i32
    %dma_wait3A_206 = tpu.memref_slice %arg4[%mul3A_162, %dma_wait3A_205] : memref<8192x1024xf32, #tpu.memory_space<hbm>> -> memref<32x1024xf32, #tpu.memory_space<hbm>>
    %dma_wait3A_207 = arith.constant 0 : i32
    %dma_wait3A_208 = tpu.memref_slice %arg4[%mul3A_162, %dma_wait3A_207] : memref<8192x1024xf32, #tpu.memory_space<hbm>> -> memref<32x1024xf32, #tpu.memory_space<hbm>>
    tpu.wait_dma2 semaphore(%arg14 : memref<!tpu.dma_semaphore, #tpu.memory_space<semaphore_mem>>) src(%arg8 : memref<32x1024xf32, #tpu.memory_space<vmem>>) dst(%dma_wait3A_208 : memref<32x1024xf32, #tpu.memory_space<hbm>>)
    return
  }
}

module attributes {stable_mosaic.version = 14 : i64} {
  func.func @_tc_embed_ln_body(%arg0: i32, %arg1: i32, %arg2: memref<1024x512xf32, #tpu.memory_space<vmem>>, %arg3: memref<1024x512xf32, #tpu.memory_space<vmem>>, %arg4: memref<1024x512xf32, #tpu.memory_space<vmem>>, %arg5: memref<1024x512xf32, #tpu.memory_space<vmem>>, %arg6: memref<1x1x1024xi32, #tpu.memory_space<vmem>>, %arg7: memref<1x1x1024xi32, #tpu.memory_space<vmem>>, %arg8: memref<2x1024xf32, #tpu.memory_space<vmem>>, %arg9: memref<8x1024xf32, #tpu.memory_space<vmem>>, %arg10: memref<1x1024xf32, #tpu.memory_space<vmem>>, %arg11: memref<1x1024xf32, #tpu.memory_space<vmem>>, %arg12: memref<1024x1024xf32, #tpu.memory_space<vmem>>) attributes {dimension_semantics = [#tpu.dimension_semantics<arbitrary>, #tpu.dimension_semantics<arbitrary>], iteration_bounds = array<i64: 2, 4>, scalar_prefetch = 0 : i64, scratch_operands = 0 : i64, tpu.core_type = #tpu.core_type<tc>, window_params = [{transform_indices = @transform_0, window_bounds = array<i64: 1024, 512>}, {transform_indices = @transform_1, window_bounds = array<i64: 1024, 512>}, {transform_indices = @transform_2, window_bounds = array<i64: 1024, 512>}, {transform_indices = @transform_3, window_bounds = array<i64: 1024, 512>}, {transform_indices = @transform_4, window_bounds = array<i64: 1, 1, 1024>}, {transform_indices = @transform_5, window_bounds = array<i64: 1, 1, 1024>}, {pipeline_mode = #tpu.pipeline_mode<synchronous>, transform_indices = @transform_6, window_bounds = array<i64: 2, 1024>}, {pipeline_mode = #tpu.pipeline_mode<synchronous>, transform_indices = @transform_7, window_bounds = array<i64: 8, 1024>}, {pipeline_mode = #tpu.pipeline_mode<synchronous>, transform_indices = @transform_8, window_bounds = array<i64: 1, 1024>}, {pipeline_mode = #tpu.pipeline_mode<synchronous>, transform_indices = @transform_9, window_bounds = array<i64: 1, 1024>}, {transform_indices = @transform_10, window_bounds = array<i64: 1024, 1024>}]} {
    %get3A = arith.constant 0 : index
    %get3A_0 = arith.constant 0 : index
    %get3A_1 = arith.constant 0 : index
    %get3A_2 = vector.load %arg6[%get3A, %get3A_0, %get3A_1] : memref<1x1x1024xi32, #tpu.memory_space<vmem>>, vector<1x1x1024xi32>
    %get3A_3 = vector.shape_cast %get3A_2 : vector<1x1x1024xi32> to vector<1x1024xi32>
    %get3A_4 = arith.constant 0 : index
    %get3A_5 = arith.constant 0 : index
    %get3A_6 = arith.constant 0 : index
    %get3A_7 = vector.load %arg7[%get3A_4, %get3A_5, %get3A_6] : memref<1x1x1024xi32, #tpu.memory_space<vmem>>, vector<1x1x1024xi32>
    %get3A_8 = vector.shape_cast %get3A_7 : vector<1x1x1024xi32> to vector<1x1024xi32>
    %iota3A = tpu.iota {dimensions = array<i32: 0>} : vector<2x1024xi32>
    %eq3A = vector.broadcast %get3A_3 : vector<1x1024xi32> to vector<2x1024xi32>
    %eq3A_9 = arith.cmpi eq, %iota3A, %eq3A : vector<2x1024xi32>
    %convert_element_type3A = arith.extui %eq3A_9 : vector<2x1024xi1> to vector<2x1024xi32>
    %convert_element_type3A_10 = arith.sitofp %convert_element_type3A : vector<2x1024xi32> to vector<2x1024xf32>
    %iota3A_11 = tpu.iota {dimensions = array<i32: 0>} : vector<8x1024xi32>
    %eq3A_12 = vector.broadcast %get3A_8 : vector<1x1024xi32> to vector<8x1024xi32>
    %eq3A_13 = arith.cmpi eq, %iota3A_11, %eq3A_12 : vector<8x1024xi32>
    %convert_element_type3A_14 = arith.extui %eq3A_13 : vector<8x1024xi1> to vector<8x1024xi32>
    %convert_element_type3A_15 = arith.sitofp %convert_element_type3A_14 : vector<8x1024xi32> to vector<8x1024xf32>
    %get3A_16 = arith.constant 0 : index
    %get3A_17 = arith.constant 0 : index
    %get3A_18 = vector.load %arg8[%get3A_16, %get3A_17] : memref<2x1024xf32, #tpu.memory_space<vmem>>, vector<2x512xf32>
    %dot_general3A = arith.constant dense<0.000000e+00> : vector<1024x512xf32>
    %dot_general3A_19 = tpu.matmul %convert_element_type3A_10, %get3A_18, %dot_general3A {dimension_numbers = #tpu.dot_dimension_numbers<[0], [0], [1], [1], [0, 1, 1, 1], [], []>, transpose_lhs_hint = false} : vector<2x1024xf32>, vector<2x512xf32>, vector<1024x512xf32> -> vector<1024x512xf32>
    %get3A_20 = arith.constant 0 : index
    %get3A_21 = arith.constant 0 : index
    %get3A_22 = vector.load %arg9[%get3A_20, %get3A_21] : memref<8x1024xf32, #tpu.memory_space<vmem>>, vector<8x512xf32>
    %dot_general3A_23 = arith.constant dense<0.000000e+00> : vector<1024x512xf32>
    %dot_general3A_24 = tpu.matmul %convert_element_type3A_15, %get3A_22, %dot_general3A_23 {dimension_numbers = #tpu.dot_dimension_numbers<[0], [0], [1], [1], [0, 1, 1, 1], [], []>, transpose_lhs_hint = false} : vector<8x1024xf32>, vector<8x512xf32>, vector<1024x512xf32> -> vector<1024x512xf32>
    %get3A_25 = arith.constant 0 : index
    %get3A_26 = arith.constant 0 : index
    %get3A_27 = vector.load %arg2[%get3A_25, %get3A_26] : memref<1024x512xf32, #tpu.memory_space<vmem>>, vector<1024x512xf32>
    %get3A_28 = arith.constant 0 : index
    %get3A_29 = arith.constant 0 : index
    %get3A_30 = vector.load %arg4[%get3A_28, %get3A_29] : memref<1024x512xf32, #tpu.memory_space<vmem>>, vector<1024x512xf32>
    %add3A = arith.addf %get3A_27, %get3A_30 : vector<1024x512xf32>
    %add3A_31 = arith.addf %add3A, %dot_general3A_19 : vector<1024x512xf32>
    %add3A_32 = arith.addf %add3A_31, %dot_general3A_24 : vector<1024x512xf32>
    %get3A_33 = arith.constant 0 : index
    %get3A_34 = arith.constant 512 : index
    %get3A_35 = vector.load %arg8[%get3A_33, %get3A_34] : memref<2x1024xf32, #tpu.memory_space<vmem>>, vector<2x512xf32>
    %dot_general3A_36 = arith.constant dense<0.000000e+00> : vector<1024x512xf32>
    %dot_general3A_37 = tpu.matmul %convert_element_type3A_10, %get3A_35, %dot_general3A_36 {dimension_numbers = #tpu.dot_dimension_numbers<[0], [0], [1], [1], [0, 1, 1, 1], [], []>, transpose_lhs_hint = false} : vector<2x1024xf32>, vector<2x512xf32>, vector<1024x512xf32> -> vector<1024x512xf32>
    %get3A_38 = arith.constant 0 : index
    %get3A_39 = arith.constant 512 : index
    %get3A_40 = vector.load %arg9[%get3A_38, %get3A_39] : memref<8x1024xf32, #tpu.memory_space<vmem>>, vector<8x512xf32>
    %dot_general3A_41 = arith.constant dense<0.000000e+00> : vector<1024x512xf32>
    %dot_general3A_42 = tpu.matmul %convert_element_type3A_15, %get3A_40, %dot_general3A_41 {dimension_numbers = #tpu.dot_dimension_numbers<[0], [0], [1], [1], [0, 1, 1, 1], [], []>, transpose_lhs_hint = false} : vector<8x1024xf32>, vector<8x512xf32>, vector<1024x512xf32> -> vector<1024x512xf32>
    %get3A_43 = arith.constant 0 : index
    %get3A_44 = arith.constant 0 : index
    %get3A_45 = vector.load %arg3[%get3A_43, %get3A_44] : memref<1024x512xf32, #tpu.memory_space<vmem>>, vector<1024x512xf32>
    %get3A_46 = arith.constant 0 : index
    %get3A_47 = arith.constant 0 : index
    %get3A_48 = vector.load %arg5[%get3A_46, %get3A_47] : memref<1024x512xf32, #tpu.memory_space<vmem>>, vector<1024x512xf32>
    %add3A_49 = arith.addf %get3A_45, %get3A_48 : vector<1024x512xf32>
    %add3A_50 = arith.addf %add3A_49, %dot_general3A_37 : vector<1024x512xf32>
    %add3A_51 = arith.addf %add3A_50, %dot_general3A_42 : vector<1024x512xf32>
    %reduce_sum3A = arith.constant dense<0.000000e+00> : vector<1024xf32>
    %reduce_sum3A_52 = vector.multi_reduction <add>, %add3A_32, %reduce_sum3A [1] : vector<1024x512xf32> to vector<1024xf32>
    %broadcast_in_dim3A = vector.shape_cast %reduce_sum3A_52 : vector<1024xf32> to vector<1024x1xf32>
    %reduce_sum3A_53 = arith.constant dense<0.000000e+00> : vector<1024xf32>
    %reduce_sum3A_54 = vector.multi_reduction <add>, %add3A_51, %reduce_sum3A_53 [1] : vector<1024x512xf32> to vector<1024xf32>
    %broadcast_in_dim3A_55 = vector.shape_cast %reduce_sum3A_54 : vector<1024xf32> to vector<1024x1xf32>
    %add3A_56 = arith.addf %broadcast_in_dim3A, %broadcast_in_dim3A_55 : vector<1024x1xf32>
    %mul3A = arith.constant 9.765625E-4 : f32
    %mul3A_57 = vector.broadcast %mul3A : f32 to vector<1024x1xf32>
    %mul3A_58 = arith.mulf %add3A_56, %mul3A_57 : vector<1024x1xf32>
    %sub3A = vector.broadcast %mul3A_58 : vector<1024x1xf32> to vector<1024x512xf32>
    %sub3A_59 = arith.subf %add3A_32, %sub3A : vector<1024x512xf32>
    %sub3A_60 = vector.broadcast %mul3A_58 : vector<1024x1xf32> to vector<1024x512xf32>
    %sub3A_61 = arith.subf %add3A_51, %sub3A_60 : vector<1024x512xf32>
    %mul3A_62 = arith.mulf %sub3A_59, %sub3A_59 : vector<1024x512xf32>
    %reduce_sum3A_63 = arith.constant dense<0.000000e+00> : vector<1024xf32>
    %reduce_sum3A_64 = vector.multi_reduction <add>, %mul3A_62, %reduce_sum3A_63 [1] : vector<1024x512xf32> to vector<1024xf32>
    %broadcast_in_dim3A_65 = vector.shape_cast %reduce_sum3A_64 : vector<1024xf32> to vector<1024x1xf32>
    %mul3A_66 = arith.mulf %sub3A_61, %sub3A_61 : vector<1024x512xf32>
    %reduce_sum3A_67 = arith.constant dense<0.000000e+00> : vector<1024xf32>
    %reduce_sum3A_68 = vector.multi_reduction <add>, %mul3A_66, %reduce_sum3A_67 [1] : vector<1024x512xf32> to vector<1024xf32>
    %broadcast_in_dim3A_69 = vector.shape_cast %reduce_sum3A_68 : vector<1024xf32> to vector<1024x1xf32>
    %add3A_70 = arith.addf %broadcast_in_dim3A_65, %broadcast_in_dim3A_69 : vector<1024x1xf32>
    %mul3A_71 = arith.constant 9.765625E-4 : f32
    %mul3A_72 = vector.broadcast %mul3A_71 : f32 to vector<1024x1xf32>
    %mul3A_73 = arith.mulf %add3A_70, %mul3A_72 : vector<1024x1xf32>
    %add3A_74 = arith.constant 9.99999974E-6 : f32
    %add3A_75 = vector.broadcast %add3A_74 : f32 to vector<1024x1xf32>
    %add3A_76 = arith.addf %mul3A_73, %add3A_75 : vector<1024x1xf32>
    %rsqrt3A = math.rsqrt %add3A_76 : vector<1024x1xf32>
    %mul3A_77 = vector.broadcast %rsqrt3A : vector<1024x1xf32> to vector<1024x512xf32>
    %mul3A_78 = arith.mulf %sub3A_59, %mul3A_77 : vector<1024x512xf32>
    %get3A_79 = arith.constant 0 : index
    %get3A_80 = arith.constant 0 : index
    %get3A_81 = vector.load %arg10[%get3A_79, %get3A_80] : memref<1x1024xf32, #tpu.memory_space<vmem>>, vector<1x512xf32>
    %mul3A_82 = vector.broadcast %get3A_81 : vector<1x512xf32> to vector<1024x512xf32>
    %mul3A_83 = arith.mulf %mul3A_78, %mul3A_82 : vector<1024x512xf32>
    %get3A_84 = arith.constant 0 : index
    %get3A_85 = arith.constant 0 : index
    %get3A_86 = vector.load %arg11[%get3A_84, %get3A_85] : memref<1x1024xf32, #tpu.memory_space<vmem>>, vector<1x512xf32>
    %add3A_87 = vector.broadcast %get3A_86 : vector<1x512xf32> to vector<1024x512xf32>
    %add3A_88 = arith.addf %mul3A_83, %add3A_87 : vector<1024x512xf32>
    %swap3A = arith.constant 0 : index
    %swap3A_89 = arith.constant 0 : index
    %swap3A_90 = vector.load %arg12[%swap3A, %swap3A_89] : memref<1024x1024xf32, #tpu.memory_space<vmem>>, vector<1024x512xf32>
    tpu.vector_store %arg12[%swap3A, %swap3A_89], %add3A_88 {strides = array<i32>} : memref<1024x1024xf32, #tpu.memory_space<vmem>>, vector<1024x512xf32>,
    %mul3A_91 = vector.broadcast %rsqrt3A : vector<1024x1xf32> to vector<1024x512xf32>
    %mul3A_92 = arith.mulf %sub3A_61, %mul3A_91 : vector<1024x512xf32>
    %get3A_93 = arith.constant 0 : index
    %get3A_94 = arith.constant 512 : index
    %get3A_95 = vector.load %arg10[%get3A_93, %get3A_94] : memref<1x1024xf32, #tpu.memory_space<vmem>>, vector<1x512xf32>
    %mul3A_96 = vector.broadcast %get3A_95 : vector<1x512xf32> to vector<1024x512xf32>
    %mul3A_97 = arith.mulf %mul3A_92, %mul3A_96 : vector<1024x512xf32>
    %get3A_98 = arith.constant 0 : index
    %get3A_99 = arith.constant 512 : index
    %get3A_100 = vector.load %arg11[%get3A_98, %get3A_99] : memref<1x1024xf32, #tpu.memory_space<vmem>>, vector<1x512xf32>
    %add3A_101 = vector.broadcast %get3A_100 : vector<1x512xf32> to vector<1024x512xf32>
    %add3A_102 = arith.addf %mul3A_97, %add3A_101 : vector<1024x512xf32>
    %swap3A_103 = arith.constant 0 : index
    %swap3A_104 = arith.constant 512 : index
    %swap3A_105 = vector.load %arg12[%swap3A_103, %swap3A_104] : memref<1024x1024xf32, #tpu.memory_space<vmem>>, vector<1024x512xf32>
    tpu.vector_store %arg12[%swap3A_103, %swap3A_104], %add3A_102 {strides = array<i32>} : memref<1024x1024xf32, #tpu.memory_space<vmem>>, vector<1024x512xf32>,
    return
  }
  func.func @transform_0(%arg0: i32, %arg1: i32) -> (i32, i32) {
    %mul3A = arith.constant 2 : i32
    %mul3A_0 = arith.muli %arg1, %mul3A : i32
    %add3A = arith.addi %mul3A_0, %arg0 : i32
    %c0_i32 = arith.constant 0 : i32
    %c0_i32_1 = arith.constant 0 : i32
    return %add3A, %c0_i32 : i32, i32
  }
  func.func @transform_1(%arg0: i32, %arg1: i32) -> (i32, i32) {
    %mul3A = arith.constant 2 : i32
    %mul3A_0 = arith.muli %arg1, %mul3A : i32
    %add3A = arith.addi %mul3A_0, %arg0 : i32
    %c1_i32 = arith.constant 1 : i32
    %c0_i32 = arith.constant 0 : i32
    return %add3A, %c1_i32 : i32, i32
  }
  func.func @transform_2(%arg0: i32, %arg1: i32) -> (i32, i32) {
    %c0_i32 = arith.constant 0 : i32
    %c0_i32_0 = arith.constant 0 : i32
    return %arg0, %c0_i32 : i32, i32
  }
  func.func @transform_3(%arg0: i32, %arg1: i32) -> (i32, i32) {
    %c1_i32 = arith.constant 1 : i32
    %c0_i32 = arith.constant 0 : i32
    return %arg0, %c1_i32 : i32, i32
  }
  func.func @transform_4(%arg0: i32, %arg1: i32) -> (i32, i32, i32) {
    %add3A = arith.constant 0 : i32
    %add3A_0 = arith.addi %add3A, %arg1 : i32
    %mul3A = arith.constant 2 : i32
    %mul3A_1 = arith.muli %add3A_0, %mul3A : i32
    %add3A_2 = arith.addi %mul3A_1, %arg0 : i32
    %c0_i32 = arith.constant 0 : i32
    %c0_i32_3 = arith.constant 0 : i32
    %c0_i32_4 = arith.constant 0 : i32
    return %add3A_2, %c0_i32, %c0_i32_3 : i32, i32, i32
  }
  func.func @transform_5(%arg0: i32, %arg1: i32) -> (i32, i32, i32) {
    %add3A = arith.constant 0 : i32
    %add3A_0 = arith.addi %add3A, %arg1 : i32
    %mul3A = arith.constant 2 : i32
    %mul3A_1 = arith.muli %add3A_0, %mul3A : i32
    %add3A_2 = arith.addi %mul3A_1, %arg0 : i32
    %c0_i32 = arith.constant 0 : i32
    %c0_i32_3 = arith.constant 0 : i32
    %c0_i32_4 = arith.constant 0 : i32
    return %add3A_2, %c0_i32, %c0_i32_3 : i32, i32, i32
  }
  func.func @transform_6(%arg0: i32, %arg1: i32) -> (i32, i32) {
    %c0_i32 = arith.constant 0 : i32
    %c0_i32_0 = arith.constant 0 : i32
    %c0_i32_1 = arith.constant 0 : i32
    return %c0_i32, %c0_i32_0 : i32, i32
  }
  func.func @transform_7(%arg0: i32, %arg1: i32) -> (i32, i32) {
    %c0_i32 = arith.constant 0 : i32
    %c0_i32_0 = arith.constant 0 : i32
    %c0_i32_1 = arith.constant 0 : i32
    return %c0_i32, %c0_i32_0 : i32, i32
  }
  func.func @transform_8(%arg0: i32, %arg1: i32) -> (i32, i32) {
    %c0_i32 = arith.constant 0 : i32
    %c0_i32_0 = arith.constant 0 : i32
    %c0_i32_1 = arith.constant 0 : i32
    return %c0_i32, %c0_i32_0 : i32, i32
  }
  func.func @transform_9(%arg0: i32, %arg1: i32) -> (i32, i32) {
    %c0_i32 = arith.constant 0 : i32
    %c0_i32_0 = arith.constant 0 : i32
    %c0_i32_1 = arith.constant 0 : i32
    return %c0_i32, %c0_i32_0 : i32, i32
  }
  func.func @transform_10(%arg0: i32, %arg1: i32) -> (i32, i32) {
    %add3A = arith.constant 0 : i32
    %add3A_0 = arith.addi %add3A, %arg1 : i32
    %mul3A = arith.constant 2 : i32
    %mul3A_1 = arith.muli %add3A_0, %mul3A : i32
    %add3A_2 = arith.addi %mul3A_1, %arg0 : i32
    %c0_i32 = arith.constant 0 : i32
    %c0_i32_3 = arith.constant 0 : i32
    return %add3A_2, %c0_i32 : i32, i32
  }
}

</mosaic_0001>

<sc_bundles>
// kernel: kernel.4.cloned.1.call-start
scs
__scs_entry_jumppad:
0x0: {  	(pc) =	sbr.rel $0x88, $3  }
0x1: {  	(tag) =	ssettag $0x0;
	lr =	simm.s32 $0x1  }
0x2: {  	[smem:$0x3F98] =	sst lr;
	_ =	strace $0xD0000000  }
0x3: {  	_ = 	snop  }
0x4: {  	_ = 	snop  }
0x5: {  	_ = 	snop  }
0x6: {  	_ = 	snop  }
0x7: {  	_ = 	snop  }
__scs_overlays_trampoline_lowered:
0x8: {  	[smem:$0x3FA7] =	sst s0  }
0x9: {  	[smem:$0x3FA8] =	sst s1  }
0xa: {  	[smem:$0x3FA9] =	sst s2  }
0xb: {  	[smem:$0x3FAA] =	sst s3  }
0xc: {  	[smem:$0x3FAB] =	sst s4  }
0xd: {  	[smem:$0x3FAC] =	sst s5  }
0xe: {  	[smem:$0x3FAD] =	sst s6  }
0xf: {  	[smem:$0x3FAE] =	sst s7  }
0x10: {  	[smem:$0x3FAF] =	sst s8  }
0x11: {  	[smem:$0x3FB0] =	sst s9;
	s0 =	simm.s32 @!p0 $0x0  }
0x12: {  	s1 =	sld [smem:$0x3F96];
	s0 =	simm.s32 @p0 $0x1  }
0x13: {  	[smem:$0x3FB1] =	sst s0;
	s0 =	simm.s32 @!p1 $0x0  }
0x14: {  	s2 =	sld [smem:$0x3F95];
	s0 =	simm.s32 @p1 $0x1  }
0x15: {  	[smem:$0x3FB2] =	sst s0;
	s0 =	simm.s32 @!p2 $0x0  }
0x16: {  	s3 =	sld [smem:$0x3FDB];
	s0 =	simm.s32 @p2 $0x1  }
0x17: {  	s4 =	simm.s32 $0x1BF5;
	[smem:$0x3FB4] =	sst s0  }
0x18: {  	s0 =	sld [smem:$0x3F97];
	_ =	swait.ge [sflag:s4], $0x0  }
0x19: {  	s7 =	sld [smem:$0x3F98]  }
0x1a: {  	s8 =	sadd.s32 $0xFFFFE003, lr  }
0x1b: {  	s9 =	sadd.s32 $0xFFFFFEF7, lr;
	s5 =	simm.s32 $0xFFFFFFFF;
	p2 =	slt.u32 s8, $0xFFFFF086  }
0x1c: {  	p1 =	slt.u32 s9, $0xF7A;
	s5 =	simm.s32 @!p2 $0x0  }
0x1d: {  	s5 =	simm.s32 @p1 $0x1;
	p0 =	seq.s32 s7, s2  }
0x1e: {  	s7 =	smul.u32 @!p0 $0xF7A, s2;
	p2 =	seq.s32 @!p0 s5, $0x0  }
0x1f: {  	s9 =	smul.u32 $0xF7A, s1;
	s8 =	simm.s32 @!p0 $0x1BF5;
	p2 =	por !p2, p0  }
0x20: {  	[sflag:s8] =	ssyncset.s32 @!p0 $0xFFFFF086;
	s6 =	sadd.s32 @!p0 s3, s7;
	s7 =	simm.s32 @!p0 $0x108  }
0x21: {  	s3 =	sadd.s32 s3, s9;
	s6 =	sadd.s32 @!p0 $0x88, s6;
	s7 =	simm.s32 @p2 $0x1082  }
0x22: {  	[simem:s7], [sflag:s8] =	dma.local @!p0 [hbm:s6], $0xF7A  }
0x23: {  	s9 =	sor.u32 $0xD0000000, s2;
	s6 =	simm.s32 $0x108;
	_ =	swait.ge @!p0 [sflag:s8], $0x0  }
0x24: {  	s3 =	sadd.s32 $0x88, s3;
	s6 =	simm.s32 @!p1 $0x1082;
	[sflag:s4] =	ssyncset.s32 $0xFFFFF086  }
0x25: {  	[simem:s6], [sflag:s4] =	dma.local [hbm:s3], $0xF7A  }
0x26: {  	[smem:$0x3F98] =	sst s1;
	(tag) =	ssettag s2;
	_ =	strace s9  }
0x27: {  	s1 =	sld [smem:$0x3FA8]  }
0x28: {  	s2 =	sld [smem:$0x3FA9]  }
0x29: {  	s4 =	sld [smem:$0x3FAB]  }
0x2a: {  	p0 =	seq.s32 s5, $0x0;
	s5 =	sld [smem:$0x3FAC]  }
0x2b: {  	s6 =	sld [smem:$0x3FAD]  }
0x2c: {  	s7 =	sld [smem:$0x3FAE]  }
0x2d: {  	s3 =	simm.s32 $0x108;
	s8 =	sld [smem:$0x3FAF]  }
0x2e: {  	s3 =	simm.s32 @!p0 $0x1082;
	s9 =	sld [smem:$0x3FB0]  }
0x2f: {  	lr =	sadd.s32 s0, s3;
	s0 =	sld [smem:$0x3FA7]  }
0x30: {  	s3 =	sld [smem:$0x3FAA]  }
0x31: {  	[smem:$0x3FB3] =	sst s10  }
0x32: {  	s10 =	sld [smem:$0x3FB1];
	_ =	sdelay $0x3  }
0x33: {  	p0 =	seq.s32 s10, $0x1;
	s10 =	sld [smem:$0x3FB3];
	_ =	sdelay $0x3  }
0x34: {  	[smem:$0x3FB3] =	sst s10  }
0x35: {  	s10 =	sld [smem:$0x3FB2];
	_ =	sdelay $0x3  }
0x36: {  	p1 =	seq.s32 s10, $0x1;
	s10 =	sld [smem:$0x3FB3];
	_ =	sdelay $0x3  }
0x37: {  	[smem:$0x3FB3] =	sst s10  }
0x38: {  	s10 =	sld [smem:$0x3FB4]  }
0x39: {  	_ = 	snop;
	(pc) =	sbr.ind lr, $3  }
0x3a: {  	_ = 	snop  }
0x3b: {  	_ = 	snop  }
0x3c: {  	p2 =	seq.s32 s10, $0x1;
	s10 =	sld [smem:$0x3FB3]  }
0x3d: {  	_ =	shalt  }
0x3e: {  	_ =	shalt  }
0x3f: {  	_ =	shalt  }
0x40: {  	_ =	shalt  }
0x41: {  	_ =	shalt  }
0x42: {  	_ =	shalt  }
0x43: {  	_ =	shalt  }
0x44: {  	_ =	shalt  }
0x45: {  	_ =	shalt  }
0x46: {  	_ =	shalt  }
0x47: {  	_ =	shalt  }
0x48: {  	_ =	shalt  }
0x49: {  	_ =	shalt  }
0x4a: {  	_ =	shalt  }
0x4b: {  	_ =	shalt  }
0x4c: {  	_ =	shalt  }
0x4d: {  	_ =	shalt  }
0x4e: {  	_ =	shalt  }
0x4f: {  	_ =	shalt  }
0x50: {  	_ =	shalt  }
0x51: {  	_ =	shalt  }
0x52: {  	_ =	shalt  }
0x53: {  	_ =	shalt  }
0x54: {  	_ =	shalt  }
0x55: {  	_ =	shalt  }
0x56: {  	_ =	shalt  }
0x57: {  	_ =	shalt  }
0x58: {  	_ =	shalt  }
0x59: {  	_ =	shalt  }
0x5a: {  	_ =	shalt  }
0x5b: {  	_ =	shalt  }
0x5c: {  	_ =	shalt  }
0x5d: {  	_ =	shalt  }
0x5e: {  	_ =	shalt  }
0x5f: {  	_ =	shalt  }
0x60: {  	_ =	shalt  }
0x61: {  	_ =	shalt  }
0x62: {  	_ =	shalt  }
0x63: {  	_ =	shalt  }
0x64: {  	_ =	shalt  }
0x65: {  	_ =	shalt  }
0x66: {  	_ =	shalt  }
0x67: {  	_ =	shalt  }
0x68: {  	_ =	shalt  }
0x69: {  	_ =	shalt  }
0x6a: {  	_ =	shalt  }
0x6b: {  	_ =	shalt  }
0x6c: {  	_ =	shalt  }
0x6d: {  	_ =	shalt  }
0x6e: {  	_ =	shalt  }
0x6f: {  	_ =	shalt  }
0x70: {  	_ =	shalt  }
0x71: {  	_ =	shalt  }
0x72: {  	_ =	shalt  }
0x73: {  	_ =	shalt  }
0x74: {  	_ =	shalt  }
0x75: {  	_ =	shalt  }
0x76: {  	_ =	shalt  }
0x77: {  	_ =	shalt  }
0x78: {  	_ =	shalt  }
0x79: {  	_ =	shalt  }
0x7a: {  	_ =	shalt  }
0x7b: {  	_ =	shalt  }
0x7c: {  	_ =	shalt  }
0x7d: {  	_ =	shalt  }
0x7e: {  	_ =	shalt  }
0x7f: {  	_ =	shalt  }
0x80: {  	_ =	shalt  }
0x81: {  	_ =	shalt  }
0x82: {  	_ =	shalt  }
0x83: {  	_ =	shalt  }
0x84: {  	_ =	shalt  }
0x85: {  	_ =	shalt  }
0x86: {  	_ =	shalt  }
0x87: {  	_ =	shalt  }
.Lfunc_end0:
.L_simem_size_0:
called_computation_lowered:
.L_overlay_start_0:
0x88: {  	s2 =	sld [smem:$0x3FD9]  }
0x89: {  	s3 =	sld [smem:$0x3FFE];
	_ =	sdelay $0x1  }
0x8a: {  	s1 =	srdreg.scid  }
0x8b: {  	s0 =	sand.u32 $0x1, s1  }
0x8c: {  	s17 =	sshll.u32 s0, $0xA;
	s2 =	sadd.s32 s3, s2  }
0x8d: {  	s2 =	sadd.s32 s2, s17  }
0x8e: {  	[smem:$0x3FBF] =	sst s2  }
0x8f: {  	_ = 	snop  }
0x90: {  	s2 =	sld [smem:$0x3FC6]  }
0x91: {  	s18 =	sld [smem:$0x3FD0];
	(tm) =	ssettm $0x1  }
0x92: {  	s4 =	sld [smem:$0x3FFB];
	_ =	sdelay $0x3  }
0x93: {  	_ =	strace s4  }
0x94: {  	s4 =	sld [smem:$0x3FFC];
	_ =	sdelay $0x3  }
0x95: {  	_ =	strace s4  }
0x96: {  	s4 =	sld [smem:$0x3FFD];
	_ =	sdelay $0x3  }
0x97: {  	_ =	strace s4  }
0x98: {  	_ =	strace $0x8FFFFFFF  }
0x99: {  	s19 =	sld [smem:$0x3FDB];
	_ =	sdelay $0x1  }
0x9a: {  	s5 =	simm.s32 $_scs_section_size  }
0x9b: {  	s6 =	simm.s32 $_size__tile_overlayer_lowered;
	s7 =	simm.s32 $_tile_overlayer_lowered  }
0x9c: {  	s22 =	simm.s32 $0x1BFF;
	s21 =	sshll.u32 s7, $0x1;
	s4 =	sadd.s32 s5, s19  }
0x9d: {  	s8 =	simm.s32 $0x0;
	s20 =	sshll.u32 s6, $0x1;
	s6 =	sadd.s32 s21, s4  }
0x9e: {  	[timem:s8], [sflag:s22] =	dma.local [hbm:s6], s20  }
0x9f: {  	_ =	swait.ge [sflag:s22], s20  }
0xa0: {  	s5 =	ssub.s32 $0x0, s20;
	[sflag:s22] =	ssyncset.done $0x0  }
0xa1: {  	[sflag:s22] =	ssyncadd.s32 s5;
	_ =	sdelay $0x1  }
0xa2: {  	s23 =	simm.s32 $0x1B8B  }
0xa3: {  	_ =	swait.ge [sflag:s23], $0x1  }
0xa4: {  	[sflag:s23] =	ssyncset.done $0x0  }
0xa5: {  	s25 =	simm.s32 $0x1B8E;
	s24 =	sld [smem:$0x3FFE];
	[sflag:s23] =	ssyncadd.s32 $0xFFFFFFFF  }
0xa6: {  	s26 =	simm.s32 $execute0_lowered;
	[smem:$0x3FD2] =	sst s25  }
0xa7: {  	s6 =	sshll.u32 s26, $0x1;
	_ =	strace $0x80000046;
	[dreg:$0x1] =	wrdreg $0xFFFFFFFF  }
0xa8: {  	s28 =	simm.s32 $_size_execute0_lowered;
	s4 =	sadd.s32 s4, s6;
	[dreg:$0x0] =	wrdreg $0x0  }
0xa9: {  	s6 =	sshll.u32 s28, $0x1;
	[dreg:$0x2] =	wrdreg s4  }
0xaa: {  	[dreg:$0x3] =	wrdreg s6  }
0xab: {  	[dreg:$0x4] =	wrdreg $0xC0  }
0xac: {  	_ =	task [dreg:s8], $0x5FFFF  }
0xad: {  	[dreg:$0x1] =	wrdreg $0xFFFFFFFF  }
0xae: {  	[dreg:$0x0] =	wrdreg $0x60  }
0xaf: {  	[dreg:$0x2] =	wrdreg s2  }
0xb0: {  	[dreg:$0x3] =	wrdreg s18  }
0xb1: {  	[dreg:$0x4] =	wrdreg s24  }
0xb2: {  	[dreg:$0x5] =	wrdreg $0x9  }
0xb3: {  	_ =	task.clear_ibuf [dreg:s8], $0x6FFFF;
	_ =	strace $0x90000046  }
0xb4: {  	s29 =	simm.s32 $0x9;
	_ =	strace $0x80000048  }
0xb5: {  	_ =	swait.ge [sflag:s29], $0x1  }
0xb6: {  	[sflag:s29] =	ssyncadd.s32 $0xFFFFFFFF  }
0xb7: {  	_ =	strace $0x90000048  }
0xb8: {  	_ =	sfence  }
0xb9: {  	s30 =	sld [smem:$0x0];
	_ =	sdelay $0x2  }
0xba: {  	s31 =	sshll.u32 s1, $0xD;
	s1 =	sshrl.u32 s1, $0x2  }
0xbb: {  	s3 =	sand.u32 $0x4000, s31;
	s1 =	sadd.s32 s1, s30  }
0xbc: {  	s0 =	sor.u32 s3, s0;
	s1 =	sshll.u32 s1, $0x11  }
0xbd: {  	s0 =	sor.u32 s1, s0  }
0xbe: {  	s0 =	sadd.s32 $0x8F2B, s0  }
0xbf: {  	[sflag:s0] =	ssyncadd.remote.s32 $0x1  }
0xc0: {  	_ =	sfence.sel $0xFFFF  }
0xc1: {  	[dreg:$0x0] =	wrdreg $0xFFFFFFFF;
	(pc) =	sbr.abs _section_cstart, $3  }
0xc2: {  	[dreg:$0x1] =	wrdreg $0xFFFFFFFF  }
0xc3: {  	_ =	task.clear_ibuf [dreg:s8], $0x2FFFF;
	_ =	strace $0x9FFFFFFF  }
0xc4: {  	(tm) =	ssettm $0x7FFFFFFF  }
0xc5: {  	_ =	shalt  }
tec
execute0_lowered:
.L_overlay_start_1:
0x0: {  	(tag) =	ssettag $0x1  }
0x1: {  	s1 =	rddreg [dreg:$0x0]  }
0x2: {  	s0 =	rddreg [dreg:$0x1];
	s2 =	srdreg.scid  }
0x3: {  	s3 =	stileid.u32;
	s4 =	rddreg [dreg:$0x2];
	s31 =	simm.s32 $0x3  }
0x4: {  	s9 =	simm.s32 $0x11C00;
	s10 =	simm.s32 $0x12400;
	s11 =	simm.s32 $0x12C00  }
0x5: {  	s12 =	simm.s32 $0x13400;
	s13 =	simm.s32 $0x13C00;
	s14 =	simm.s32 $0x14400  }
0x6: {  	s15 =	simm.s32 $0x14C00;
	s16 =	simm.s32 $0x15400;
	s17 =	simm.s32 $0x15C00  }
0x7: {  	s28 =	simm.s32 $0x16C00;
	s2 =	sand.u32 $0x1, s2;
	s5 =	sshll.u32 s3, $0x1  }
0x8: {  	s29 =	simm.s32 $0x17400;
	s30 =	simm.s32 $0x17C00;
	s5 =	sor.u32 s2, s5  }
0x9: {  	s3 =	simm.s32 $0x0;
	s6 =	sshll.u32 s5, $0xF;
	s5 =	sshll.u32 s5, $0x7  }
0xa: {  	[smem:$0x7FF] =	sst s3;
	s7 =	sadd.s32 s6, s4;
	s0 =	sadd.s32 s0, s5  }
0xb: {  	_ =	strace $0x80000047;
	[dreg:$0x4] =	wrdreg s0;
	s18 =	sadd.s32 $0x1200, s7  }
0xc: {  	s2 =	ssub.s32 $0x2, s2;
	s19 =	sadd.s32 $0x2200, s7;
	[dreg:$0x5] =	wrdreg s18  }
0xd: {  	s21 =	sshrl.u32 s2, $0x1;
	s20 =	sadd.s32 $0x3200, s7;
	[dreg:$0x6] =	wrdreg s19  }
0xe: {  	s2 =	ssub.s32 s2, s21;
	s22 =	sadd.s32 $0x4200, s7;
	[dreg:$0x7] =	wrdreg s20  }
0xf: {  	s4 =	sadd.s32 $0x100, s1;
	s23 =	sadd.s32 $0x5200, s7;
	[dreg:$0x8] =	wrdreg s22  }
0x10: {  	s5 =	sadd.s32 $0x200, s1;
	s24 =	sadd.s32 $0x6200, s7;
	[dreg:$0x9] =	wrdreg s23  }
0x11: {  	s6 =	sadd.s32 $0x300, s1;
	s25 =	sadd.s32 $0x7200, s7;
	[dreg:$0xa] =	wrdreg s24  }
0x12: {  	s21 =	simm.s32 $0x5;
	s26 =	sadd.s32 $0x8200, s7;
	[dreg:$0xb] =	wrdreg s25  }
0x13: {  	v2 =	vlaneseq.u32;
	s7 =	smax.u32 s2, $0x1;
	[dreg:$0xc] =	wrdreg s26;
	s18 =	simm.s32 $0x1  }
0x14: {  	vm0 =	vmmov $0xffff;
	v1 =	vshrl.u32 v2, $0x3;
	s19 =	simm.s32 $0x4;
	s20 =	simm.s32 $0x2;
	s23 =	simm.s32 $0x6  }
0x15: {  	v0 =	vand.u32 $0x7, v2;
	v2 =	vor.u32 $0x8, v2;
	v1 =	vmul.u32 $0x8, v1;
	s25 =	simm.s32 $0x400;
	s22 =	simm.s32 $0x10C00;
	s26 =	simm.s32 $0x16400  }
.LBB2_1:
0x16: {  	s24 =	rddreg [dreg:$0x4];
	s8 =	simm.s32 $0x7  }
0x17: {  	[tilespmem:s3], [sflag:$0x7] =	stream.linear.gather [hbm4b:s24+s3], $0x400, $0x38;
	[tilespmem:$0x18400] =	vst v63  }
0x18: {  	_ =	swait.ge [sflag:s8], $0x400  }
0x19: {  	[sflag:s8] =	ssyncset.done $0x0  }
0x1a: {  	[sflag:s8] =	ssyncadd.s32 $0xFFFFFC00  }
0x1b: {  	v3 =	vld [tilespmem:$0x0];
	_ =	sdelay $0x4  }
0x1c: {  	v4 =	vshll.u32 v3, $0x3  }
0x1d: {  	v3 =	vand.u32 $0x7, v3;
	v4 =	vand.u32 $0xFFFFFFC0, v4  }
0x1e: {  	v3 =	vor.u32 v3, v4  }
0x1f: {  	v4 =	vperm.xlane v3, v0;
	_ =	sdelay $0x1  }
0x20: {  	v4 =	vadd.s32 v1, v4;
	_ =	sdelay $0x4  }
0x21: {  	[tilespmem:s25], [sflag:$0x1] =	stream.indirect_vreg.gather [hbm4b:s1+s3], $0x80, v4, vm0, $0xb8;
	[tilespmem:$0x18400] =	vst v63  }
0x22: {  	s0 =	simm.s32 $0xC00;
	v3 =	vperm.xlane v3, v2  }
0x23: {  	[tilespmem:s0], [sflag:$0x1] =	stream.indirect_vreg.gather [hbm4b:s4+s3], $0x80, v4, vm0, $0xb8;
	[tilespmem:$0x18400] =	vst v63  }
0x24: {  	s24 =	simm.s32 $0x1400;
	v3 =	vadd.s32 v1, v3  }
0x25: {  	[tilespmem:s24], [sflag:$0x1] =	stream.indirect_vreg.gather [hbm4b:s5+s3], $0x80, v4, vm0, $0xb8;
	[tilespmem:$0x18400] =	vst v63  }
0x26: {  	s2 =	simm.s32 $0x1C00  }
0x27: {  	[tilespmem:s2], [sflag:$0x1] =	stream.indirect_vreg.gather [hbm4b:s6+s3], $0x80, v4, vm0, $0xb8;
	[tilespmem:$0x18400] =	vst v63  }
0x28: {  	s8 =	simm.s32 $0x2400  }
0x29: {  	[tilespmem:s8], [sflag:$0x1] =	stream.indirect_vreg.gather [hbm4b:s1+s3], $0x80, v3, vm0, $0xb8;
	[tilespmem:$0x18400] =	vst v63  }
0x2a: {  	s24 =	simm.s32 $0x2C00  }
0x2b: {  	[tilespmem:s24], [sflag:$0x1] =	stream.indirect_vreg.gather [hbm4b:s4+s3], $0x80, v3, vm0, $0xb8;
	[tilespmem:$0x18400] =	vst v63  }
0x2c: {  	s2 =	simm.s32 $0x3400  }
0x2d: {  	[tilespmem:s2], [sflag:$0x1] =	stream.indirect_vreg.gather [hbm4b:s5+s3], $0x80, v3, vm0, $0xb8;
	[tilespmem:$0x18400] =	vst v63  }
0x2e: {  	s8 =	simm.s32 $0x3C00  }
0x2f: {  	[tilespmem:s8], [sflag:$0x1] =	stream.indirect_vreg.gather [hbm4b:s6+s3], $0x80, v3, vm0, $0xb8;
	[tilespmem:$0x18400] =	vst v63  }
0x30: {  	v3 =	vld [tilespmem:$0x10];
	_ =	sdelay $0x4  }
0x31: {  	v49 =	vshll.u32 v3, $0x3  }
0x32: {  	v3 =	vand.u32 $0x7, v3;
	v4 =	vand.u32 $0xFFFFFFC0, v49  }
0x33: {  	v3 =	vor.u32 v3, v4  }
0x34: {  	v4 =	vperm.xlane v3, v0;
	_ =	sdelay $0x1  }
0x35: {  	v4 =	vadd.s32 v1, v4;
	_ =	sdelay $0x3  }
0x36: {  	s24 =	simm.s32 $0x4400  }
0x37: {  	[tilespmem:s24], [sflag:$0x1] =	stream.indirect_vreg.gather [hbm4b:s1+s3], $0x80, v4, vm0, $0xb8;
	[tilespmem:$0x18400] =	vst v63  }
0x38: {  	s2 =	simm.s32 $0x4C00;
	v3 =	vperm.xlane v3, v2  }
0x39: {  	[tilespmem:s2], [sflag:$0x1] =	stream.indirect_vreg.gather [hbm4b:s4+s3], $0x80, v4, vm0, $0xb8;
	[tilespmem:$0x18400] =	vst v63  }
0x3a: {  	s8 =	simm.s32 $0x5400;
	v3 =	vadd.s32 v1, v3  }
0x3b: {  	[tilespmem:s8], [sflag:$0x1] =	stream.indirect_vreg.gather [hbm4b:s5+s3], $0x80, v4, vm0, $0xb8;
	[tilespmem:$0x18400] =	vst v63  }
0x3c: {  	s24 =	simm.s32 $0x5C00  }
0x3d: {  	[tilespmem:s24], [sflag:$0x1] =	stream.indirect_vreg.gather [hbm4b:s6+s3], $0x80, v4, vm0, $0xb8;
	[tilespmem:$0x18400] =	vst v63  }
0x3e: {  	s2 =	simm.s32 $0x6400  }
0x3f: {  	[tilespmem:s2], [sflag:$0x1] =	stream.indirect_vreg.gather [hbm4b:s1+s3], $0x80, v3, vm0, $0xb8;
	[tilespmem:$0x18400] =	vst v63  }
0x40: {  	s8 =	simm.s32 $0x6C00  }
0x41: {  	[tilespmem:s8], [sflag:$0x1] =	stream.indirect_vreg.gather [hbm4b:s4+s3], $0x80, v3, vm0, $0xb8;
	[tilespmem:$0x18400] =	vst v63  }
0x42: {  	s24 =	simm.s32 $0x7400  }
0x43: {  	[tilespmem:s24], [sflag:$0x1] =	stream.indirect_vreg.gather [hbm4b:s5+s3], $0x80, v3, vm0, $0xb8;
	[tilespmem:$0x18400] =	vst v63  }
0x44: {  	s2 =	simm.s32 $0x7C00  }
0x45: {  	[tilespmem:s2], [sflag:$0x1] =	stream.indirect_vreg.gather [hbm4b:s6+s3], $0x80, v3, vm0, $0xb8;
	[tilespmem:$0x18400] =	vst v63  }
0x46: {  	v3 =	vld [tilespmem:$0x80];
	_ =	sdelay $0x4  }
0x47: {  	v50 =	vshll.u32 v3, $0x3  }
0x48: {  	v3 =	vand.u32 $0x7, v3;
	v4 =	vand.u32 $0xFFFFFFC0, v50  }
0x49: {  	v3 =	vor.u32 v3, v4  }
0x4a: {  	v4 =	vperm.xlane v3, v0;
	_ =	sdelay $0x1  }
0x4b: {  	v4 =	vadd.s32 v1, v4;
	_ =	sdelay $0x3  }
0x4c: {  	s0 =	simm.s32 $0x8400  }
0x4d: {  	[tilespmem:s0], [sflag:$0x2] =	stream.indirect_vreg.gather [hbm4b:s1+s3], $0x80, v4, vm0, $0xb8;
	[tilespmem:$0x18400] =	vst v63  }
0x4e: {  	s2 =	simm.s32 $0x8C00;
	v3 =	vperm.xlane v3, v2  }
0x4f: {  	[tilespmem:s2], [sflag:$0x2] =	stream.indirect_vreg.gather [hbm4b:s4+s3], $0x80, v4, vm0, $0xb8;
	[tilespmem:$0x18400] =	vst v63  }
0x50: {  	s8 =	simm.s32 $0x9400;
	v3 =	vadd.s32 v1, v3  }
0x51: {  	[tilespmem:s8], [sflag:$0x2] =	stream.indirect_vreg.gather [hbm4b:s5+s3], $0x80, v4, vm0, $0xb8;
	[tilespmem:$0x18400] =	vst v63  }
0x52: {  	s24 =	simm.s32 $0x9C00  }
0x53: {  	[tilespmem:s24], [sflag:$0x2] =	stream.indirect_vreg.gather [hbm4b:s6+s3], $0x80, v4, vm0, $0xb8;
	[tilespmem:$0x18400] =	vst v63  }
0x54: {  	s8 =	simm.s32 $0xA400  }
0x55: {  	[tilespmem:s8], [sflag:$0x2] =	stream.indirect_vreg.gather [hbm4b:s1+s3], $0x80, v3, vm0, $0xb8;
	[tilespmem:$0x18400] =	vst v63  }
0x56: {  	s24 =	simm.s32 $0xAC00  }
0x57: {  	[tilespmem:s24], [sflag:$0x2] =	stream.indirect_vreg.gather [hbm4b:s4+s3], $0x80, v3, vm0, $0xb8;
	[tilespmem:$0x18400] =	vst v63  }
0x58: {  	s8 =	simm.s32 $0xB400  }
0x59: {  	[tilespmem:s8], [sflag:$0x2] =	stream.indirect_vreg.gather [hbm4b:s5+s3], $0x80, v3, vm0, $0xb8;
	[tilespmem:$0x18400] =	vst v63  }
0x5a: {  	s24 =	simm.s32 $0xBC00  }
0x5b: {  	[tilespmem:s24], [sflag:$0x2] =	stream.indirect_vreg.gather [hbm4b:s6+s3], $0x80, v3, vm0, $0xb8;
	[tilespmem:$0x18400] =	vst v63  }
0x5c: {  	v3 =	vld [tilespmem:$0x90];
	_ =	sdelay $0x4  }
0x5d: {  	v51 =	vshll.u32 v3, $0x3  }
0x5e: {  	v3 =	vand.u32 $0x7, v3;
	v4 =	vand.u32 $0xFFFFFFC0, v51  }
0x5f: {  	v3 =	vor.u32 v3, v4  }
0x60: {  	v4 =	vperm.xlane v3, v0;
	_ =	sdelay $0x1  }
0x61: {  	v4 =	vadd.s32 v1, v4;
	_ =	sdelay $0x3  }
0x62: {  	s8 =	simm.s32 $0xC400  }
0x63: {  	[tilespmem:s8], [sflag:$0x2] =	stream.indirect_vreg.gather [hbm4b:s1+s3], $0x80, v4, vm0, $0xb8;
	[tilespmem:$0x18400] =	vst v63  }
0x64: {  	s24 =	simm.s32 $0xCC00;
	v3 =	vperm.xlane v3, v2  }
0x65: {  	[tilespmem:s24], [sflag:$0x2] =	stream.indirect_vreg.gather [hbm4b:s4+s3], $0x80, v4, vm0, $0xb8;
	[tilespmem:$0x18400] =	vst v63  }
0x66: {  	v3 =	vadd.s32 v1, v3;
	s8 =	simm.s32 $0xD400  }
0x67: {  	[tilespmem:s8], [sflag:$0x2] =	stream.indirect_vreg.gather [hbm4b:s5+s3], $0x80, v4, vm0, $0xb8;
	[tilespmem:$0x18400] =	vst v63  }
0x68: {  	s24 =	simm.s32 $0xDC00  }
0x69: {  	[tilespmem:s24], [sflag:$0x2] =	stream.indirect_vreg.gather [hbm4b:s6+s3], $0x80, v4, vm0, $0xb8;
	[tilespmem:$0x18400] =	vst v63  }
0x6a: {  	s8 =	simm.s32 $0xE400  }
0x6b: {  	[tilespmem:s8], [sflag:$0x2] =	stream.indirect_vreg.gather [hbm4b:s1+s3], $0x80, v3, vm0, $0xb8;
	[tilespmem:$0x18400] =	vst v63  }
0x6c: {  	s24 =	simm.s32 $0xEC00  }
0x6d: {  	[tilespmem:s24], [sflag:$0x2] =	stream.indirect_vreg.gather [hbm4b:s4+s3], $0x80, v3, vm0, $0xb8;
	[tilespmem:$0x18400] =	vst v63  }
0x6e: {  	s8 =	simm.s32 $0xF400  }
0x6f: {  	[tilespmem:s8], [sflag:$0x2] =	stream.indirect_vreg.gather [hbm4b:s5+s3], $0x80, v3, vm0, $0xb8;
	[tilespmem:$0x18400] =	vst v63  }
0x70: {  	s24 =	simm.s32 $0xFC00  }
0x71: {  	[tilespmem:s24], [sflag:$0x2] =	stream.indirect_vreg.gather [hbm4b:s6+s3], $0x80, v3, vm0, $0xb8;
	[tilespmem:$0x18400] =	vst v63  }
0x72: {  	v3 =	vld [tilespmem:$0x100];
	_ =	sdelay $0x4  }
0x73: {  	v52 =	vshll.u32 v3, $0x3  }
0x74: {  	v3 =	vand.u32 $0x7, v3;
	v4 =	vand.u32 $0xFFFFFFC0, v52  }
0x75: {  	v3 =	vor.u32 v3, v4  }
0x76: {  	v4 =	vperm.xlane v3, v0;
	_ =	sdelay $0x1  }
0x77: {  	v4 =	vadd.s32 v1, v4;
	_ =	sdelay $0x3  }
0x78: {  	s2 =	simm.s32 $0x10400  }
0x79: {  	[tilespmem:s2], [sflag:$0x3] =	stream.indirect_vreg.gather [hbm4b:s1+s3], $0x80, v4, vm0, $0xb8;
	[tilespmem:$0x18400] =	vst v63  }
0x7a: {  	v3 =	vperm.xlane v3, v2  }
0x7b: {  	[tilespmem:s22], [sflag:$0x3] =	stream.indirect_vreg.gather [hbm4b:s4+s3], $0x80, v4, vm0, $0xb8;
	[tilespmem:$0x18400] =	vst v63  }
0x7c: {  	s8 =	simm.s32 $0x11400;
	v3 =	vadd.s32 v1, v3  }
0x7d: {  	[tilespmem:s8], [sflag:$0x3] =	stream.indirect_vreg.gather [hbm4b:s5+s3], $0x80, v4, vm0, $0xb8;
	[tilespmem:$0x18400] =	vst v63  }
0x7e: {  	_ = 	snop  }
0x7f: {  	[tilespmem:s9], [sflag:$0x3] =	stream.indirect_vreg.gather [hbm4b:s6+s3], $0x80, v4, vm0, $0xb8;
	[tilespmem:$0x18400] =	vst v63  }
0x80: {  	_ = 	snop  }
0x81: {  	[tilespmem:s10], [sflag:$0x3] =	stream.indirect_vreg.gather [hbm4b:s1+s3], $0x80, v3, vm0, $0xb8;
	[tilespmem:$0x18400] =	vst v63  }
0x82: {  	_ = 	snop  }
0x83: {  	[tilespmem:s11], [sflag:$0x3] =	stream.indirect_vreg.gather [hbm4b:s4+s3], $0x80, v3, vm0, $0xb8;
	[tilespmem:$0x18400] =	vst v63  }
0x84: {  	_ = 	snop  }
0x85: {  	[tilespmem:s12], [sflag:$0x3] =	stream.indirect_vreg.gather [hbm4b:s5+s3], $0x80, v3, vm0, $0xb8;
	[tilespmem:$0x18400] =	vst v63  }
0x86: {  	_ = 	snop  }
0x87: {  	[tilespmem:s13], [sflag:$0x3] =	stream.indirect_vreg.gather [hbm4b:s6+s3], $0x80, v3, vm0, $0xb8;
	[tilespmem:$0x18400] =	vst v63  }
0x88: {  	v3 =	vld [tilespmem:$0x110];
	_ =	sdelay $0x4  }
0x89: {  	v53 =	vshll.u32 v3, $0x3  }
0x8a: {  	v3 =	vand.u32 $0x7, v3;
	v4 =	vand.u32 $0xFFFFFFC0, v53  }
0x8b: {  	v3 =	vor.u32 v3, v4  }
0x8c: {  	v4 =	vperm.xlane v3, v0;
	_ =	sdelay $0x1  }
0x8d: {  	v4 =	vadd.s32 v1, v4;
	_ =	sdelay $0x4  }
0x8e: {  	[tilespmem:s14], [sflag:$0x3] =	stream.indirect_vreg.gather [hbm4b:s1+s3], $0x80, v4, vm0, $0xb8;
	[tilespmem:$0x18400] =	vst v63  }
0x8f: {  	v3 =	vperm.xlane v3, v2  }
0x90: {  	[tilespmem:s15], [sflag:$0x3] =	stream.indirect_vreg.gather [hbm4b:s4+s3], $0x80, v4, vm0, $0xb8;
	[tilespmem:$0x18400] =	vst v63  }
0x91: {  	v3 =	vadd.s32 v1, v3  }
0x92: {  	[tilespmem:s16], [sflag:$0x3] =	stream.indirect_vreg.gather [hbm4b:s5+s3], $0x80, v4, vm0, $0xb8;
	[tilespmem:$0x18400] =	vst v63  }
0x93: {  	_ = 	snop  }
0x94: {  	[tilespmem:s17], [sflag:$0x3] =	stream.indirect_vreg.gather [hbm4b:s6+s3], $0x80, v4, vm0, $0xb8;
	[tilespmem:$0x18400] =	vst v63  }
0x95: {  	_ = 	snop  }
0x96: {  	[tilespmem:s26], [sflag:$0x3] =	stream.indirect_vreg.gather [hbm4b:s1+s3], $0x80, v3, vm0, $0xb8;
	[tilespmem:$0x18400] =	vst v63  }
0x97: {  	_ = 	snop  }
0x98: {  	[tilespmem:s28], [sflag:$0x3] =	stream.indirect_vreg.gather [hbm4b:s4+s3], $0x80, v3, vm0, $0xb8;
	[tilespmem:$0x18400] =	vst v63  }
0x99: {  	_ = 	snop  }
0x9a: {  	[tilespmem:s29], [sflag:$0x3] =	stream.indirect_vreg.gather [hbm4b:s5+s3], $0x80, v3, vm0, $0xb8;
	[tilespmem:$0x18400] =	vst v63  }
0x9b: {  	_ = 	snop  }
0x9c: {  	[tilespmem:s30], [sflag:$0x3] =	stream.indirect_vreg.gather [hbm4b:s6+s3], $0x80, v3, vm0, $0xb8;
	[tilespmem:$0x18400] =	vst v63  }
0x9d: {  	_ =	swait.ge [sflag:s18], $0x8000  }
0x9e: {  	[sflag:s18] =	ssyncset.done $0x0  }
0x9f: {  	s24 =	rddreg [dreg:$0x5];
	[sflag:s18] =	ssyncadd.s32 $0xFFFF8000  }
0xa0: {  	[hbm4b:s24+s3] =	stream.linear.scatter [tilespmem:s25], [sflag:$0x4], $0x8000, $0x38;
	[tilespmem:$0x18400] =	vst v63  }
0xa1: {  	_ =	swait.ge [sflag:s19], $0x8000  }
0xa2: {  	[sflag:s19] =	ssyncset.done $0x0  }
0xa3: {  	[sflag:s19] =	ssyncadd.s32 $0xFFFF8000  }
0xa4: {  	v3 =	vld [tilespmem:$0x180];
	_ =	sdelay $0x4  }
0xa5: {  	v54 =	vshll.u32 v3, $0x3  }
0xa6: {  	v3 =	vand.u32 $0x7, v3;
	v4 =	vand.u32 $0xFFFFFFC0, v54  }
0xa7: {  	v3 =	vor.u32 v3, v4  }
0xa8: {  	v4 =	vperm.xlane v3, v0;
	_ =	sdelay $0x1  }
0xa9: {  	v4 =	vadd.s32 v1, v4;
	_ =	sdelay $0x4  }
0xaa: {  	[tilespmem:s25], [sflag:$0x1] =	stream.indirect_vreg.gather [hbm4b:s1+s3], $0x80, v4, vm0, $0xb8;
	[tilespmem:$0x18400] =	vst v63  }
0xab: {  	s24 =	simm.s32 $0xC00;
	v3 =	vperm.xlane v3, v2  }
0xac: {  	[tilespmem:s24], [sflag:$0x1] =	stream.indirect_vreg.gather [hbm4b:s4+s3], $0x80, v4, vm0, $0xb8;
	[tilespmem:$0x18400] =	vst v63  }
0xad: {  	v3 =	vadd.s32 v1, v3;
	s24 =	simm.s32 $0x1400  }
0xae: {  	[tilespmem:s24], [sflag:$0x1] =	stream.indirect_vreg.gather [hbm4b:s5+s3], $0x80, v4, vm0, $0xb8;
	[tilespmem:$0x18400] =	vst v63  }
0xaf: {  	s24 =	simm.s32 $0x1C00  }
0xb0: {  	[tilespmem:s24], [sflag:$0x1] =	stream.indirect_vreg.gather [hbm4b:s6+s3], $0x80, v4, vm0, $0xb8;
	[tilespmem:$0x18400] =	vst v63  }
0xb1: {  	s24 =	simm.s32 $0x2400  }
0xb2: {  	[tilespmem:s24], [sflag:$0x1] =	stream.indirect_vreg.gather [hbm4b:s1+s3], $0x80, v3, vm0, $0xb8;
	[tilespmem:$0x18400] =	vst v63  }
0xb3: {  	s24 =	simm.s32 $0x2C00  }
0xb4: {  	[tilespmem:s24], [sflag:$0x1] =	stream.indirect_vreg.gather [hbm4b:s4+s3], $0x80, v3, vm0, $0xb8;
	[tilespmem:$0x18400] =	vst v63  }
0xb5: {  	s24 =	simm.s32 $0x3400  }
0xb6: {  	[tilespmem:s24], [sflag:$0x1] =	stream.indirect_vreg.gather [hbm4b:s5+s3], $0x80, v3, vm0, $0xb8;
	[tilespmem:$0x18400] =	vst v63  }
0xb7: {  	s24 =	simm.s32 $0x3C00  }
0xb8: {  	[tilespmem:s24], [sflag:$0x1] =	stream.indirect_vreg.gather [hbm4b:s6+s3], $0x80, v3, vm0, $0xb8;
	[tilespmem:$0x18400] =	vst v63  }
0xb9: {  	v3 =	vld [tilespmem:$0x190];
	_ =	sdelay $0x4  }
0xba: {  	v55 =	vshll.u32 v3, $0x3  }
0xbb: {  	v3 =	vand.u32 $0x7, v3;
	v4 =	vand.u32 $0xFFFFFFC0, v55  }
0xbc: {  	v3 =	vor.u32 v3, v4  }
0xbd: {  	v4 =	vperm.xlane v3, v0;
	_ =	sdelay $0x1  }
0xbe: {  	v4 =	vadd.s32 v1, v4;
	_ =	sdelay $0x3  }
0xbf: {  	s24 =	simm.s32 $0x4400  }
0xc0: {  	[tilespmem:s24], [sflag:$0x1] =	stream.indirect_vreg.gather [hbm4b:s1+s3], $0x80, v4, vm0, $0xb8;
	[tilespmem:$0x18400] =	vst v63  }
0xc1: {  	v3 =	vperm.xlane v3, v2;
	s24 =	simm.s32 $0x4C00  }
0xc2: {  	[tilespmem:s24], [sflag:$0x1] =	stream.indirect_vreg.gather [hbm4b:s4+s3], $0x80, v4, vm0, $0xb8;
	[tilespmem:$0x18400] =	vst v63  }
0xc3: {  	v3 =	vadd.s32 v1, v3;
	s24 =	simm.s32 $0x5400  }
0xc4: {  	[tilespmem:s24], [sflag:$0x1] =	stream.indirect_vreg.gather [hbm4b:s5+s3], $0x80, v4, vm0, $0xb8;
	[tilespmem:$0x18400] =	vst v63  }
0xc5: {  	s24 =	simm.s32 $0x5C00  }
0xc6: {  	[tilespmem:s24], [sflag:$0x1] =	stream.indirect_vreg.gather [hbm4b:s6+s3], $0x80, v4, vm0, $0xb8;
	[tilespmem:$0x18400] =	vst v63  }
0xc7: {  	s24 =	simm.s32 $0x6400  }
0xc8: {  	[tilespmem:s24], [sflag:$0x1] =	stream.indirect_vreg.gather [hbm4b:s1+s3], $0x80, v3, vm0, $0xb8;
	[tilespmem:$0x18400] =	vst v63  }
0xc9: {  	s24 =	simm.s32 $0x6C00  }
0xca: {  	[tilespmem:s24], [sflag:$0x1] =	stream.indirect_vreg.gather [hbm4b:s4+s3], $0x80, v3, vm0, $0xb8;
	[tilespmem:$0x18400] =	vst v63  }
0xcb: {  	s24 =	simm.s32 $0x7400  }
0xcc: {  	[tilespmem:s24], [sflag:$0x1] =	stream.indirect_vreg.gather [hbm4b:s5+s3], $0x80, v3, vm0, $0xb8;
	[tilespmem:$0x18400] =	vst v63  }
0xcd: {  	s24 =	simm.s32 $0x7C00  }
0xce: {  	[tilespmem:s24], [sflag:$0x1] =	stream.indirect_vreg.gather [hbm4b:s6+s3], $0x80, v3, vm0, $0xb8;
	[tilespmem:$0x18400] =	vst v63  }
0xcf: {  	_ =	swait.ge [sflag:s20], $0x8000  }
0xd0: {  	[sflag:s20] =	ssyncset.done $0x0  }
0xd1: {  	s24 =	rddreg [dreg:$0x6];
	[sflag:s20] =	ssyncadd.s32 $0xFFFF8000  }
0xd2: {  	[hbm4b:s24+s3] =	stream.linear.scatter [tilespmem:s0], [sflag:$0x5], $0x8000, $0x38;
	[tilespmem:$0x18400] =	vst v63  }
0xd3: {  	_ =	swait.ge [sflag:s21], $0x8000  }
0xd4: {  	[sflag:s21] =	ssyncset.done $0x0  }
0xd5: {  	[sflag:s21] =	ssyncadd.s32 $0xFFFF8000  }
0xd6: {  	v3 =	vld [tilespmem:$0x200];
	_ =	sdelay $0x4  }
0xd7: {  	v56 =	vshll.u32 v3, $0x3  }
0xd8: {  	v3 =	vand.u32 $0x7, v3;
	v4 =	vand.u32 $0xFFFFFFC0, v56  }
0xd9: {  	v3 =	vor.u32 v3, v4  }
0xda: {  	v4 =	vperm.xlane v3, v0;
	_ =	sdelay $0x1  }
0xdb: {  	v4 =	vadd.s32 v1, v4;
	_ =	sdelay $0x4  }
0xdc: {  	[tilespmem:s0], [sflag:$0x2] =	stream.indirect_vreg.gather [hbm4b:s1+s3], $0x80, v4, vm0, $0xb8;
	[tilespmem:$0x18400] =	vst v63  }
0xdd: {  	s24 =	simm.s32 $0x8C00;
	v3 =	vperm.xlane v3, v2  }
0xde: {  	[tilespmem:s24], [sflag:$0x2] =	stream.indirect_vreg.gather [hbm4b:s4+s3], $0x80, v4, vm0, $0xb8;
	[tilespmem:$0x18400] =	vst v63  }
0xdf: {  	v3 =	vadd.s32 v1, v3;
	s24 =	simm.s32 $0x9400  }
0xe0: {  	[tilespmem:s24], [sflag:$0x2] =	stream.indirect_vreg.gather [hbm4b:s5+s3], $0x80, v4, vm0, $0xb8;
	[tilespmem:$0x18400] =	vst v63  }
0xe1: {  	s24 =	simm.s32 $0x9C00  }
0xe2: {  	[tilespmem:s24], [sflag:$0x2] =	stream.indirect_vreg.gather [hbm4b:s6+s3], $0x80, v4, vm0, $0xb8;
	[tilespmem:$0x18400] =	vst v63  }
0xe3: {  	s24 =	simm.s32 $0xA400  }
0xe4: {  	[tilespmem:s24], [sflag:$0x2] =	stream.indirect_vreg.gather [hbm4b:s1+s3], $0x80, v3, vm0, $0xb8;
	[tilespmem:$0x18400] =	vst v63  }
0xe5: {  	s24 =	simm.s32 $0xAC00  }
0xe6: {  	[tilespmem:s24], [sflag:$0x2] =	stream.indirect_vreg.gather [hbm4b:s4+s3], $0x80, v3, vm0, $0xb8;
	[tilespmem:$0x18400] =	vst v63  }
0xe7: {  	s24 =	simm.s32 $0xB400  }
0xe8: {  	[tilespmem:s24], [sflag:$0x2] =	stream.indirect_vreg.gather [hbm4b:s5+s3], $0x80, v3, vm0, $0xb8;
	[tilespmem:$0x18400] =	vst v63  }
0xe9: {  	s24 =	simm.s32 $0xBC00  }
0xea: {  	[tilespmem:s24], [sflag:$0x2] =	stream.indirect_vreg.gather [hbm4b:s6+s3], $0x80, v3, vm0, $0xb8;
	[tilespmem:$0x18400] =	vst v63  }
0xeb: {  	v3 =	vld [tilespmem:$0x210];
	_ =	sdelay $0x4  }
0xec: {  	v57 =	vshll.u32 v3, $0x3  }
0xed: {  	v3 =	vand.u32 $0x7, v3;
	v4 =	vand.u32 $0xFFFFFFC0, v57  }
0xee: {  	v3 =	vor.u32 v3, v4  }
0xef: {  	v4 =	vperm.xlane v3, v0;
	_ =	sdelay $0x1  }
0xf0: {  	v4 =	vadd.s32 v1, v4;
	_ =	sdelay $0x3  }
0xf1: {  	s24 =	simm.s32 $0xC400  }
0xf2: {  	[tilespmem:s24], [sflag:$0x2] =	stream.indirect_vreg.gather [hbm4b:s1+s3], $0x80, v4, vm0, $0xb8;
	[tilespmem:$0x18400] =	vst v63  }
0xf3: {  	v3 =	vperm.xlane v3, v2;
	s24 =	simm.s32 $0xCC00  }
0xf4: {  	[tilespmem:s24], [sflag:$0x2] =	stream.indirect_vreg.gather [hbm4b:s4+s3], $0x80, v4, vm0, $0xb8;
	[tilespmem:$0x18400] =	vst v63  }
0xf5: {  	v3 =	vadd.s32 v1, v3;
	s24 =	simm.s32 $0xD400  }
0xf6: {  	[tilespmem:s24], [sflag:$0x2] =	stream.indirect_vreg.gather [hbm4b:s5+s3], $0x80, v4, vm0, $0xb8;
	[tilespmem:$0x18400] =	vst v63  }
0xf7: {  	s24 =	simm.s32 $0xDC00  }
0xf8: {  	[tilespmem:s24], [sflag:$0x2] =	stream.indirect_vreg.gather [hbm4b:s6+s3], $0x80, v4, vm0, $0xb8;
	[tilespmem:$0x18400] =	vst v63  }
0xf9: {  	s24 =	simm.s32 $0xE400  }
0xfa: {  	[tilespmem:s24], [sflag:$0x2] =	stream.indirect_vreg.gather [hbm4b:s1+s3], $0x80, v3, vm0, $0xb8;
	[tilespmem:$0x18400] =	vst v63  }
0xfb: {  	s24 =	simm.s32 $0xEC00  }
0xfc: {  	[tilespmem:s24], [sflag:$0x2] =	stream.indirect_vreg.gather [hbm4b:s4+s3], $0x80, v3, vm0, $0xb8;
	[tilespmem:$0x18400] =	vst v63  }
0xfd: {  	s24 =	simm.s32 $0xF400  }
0xfe: {  	[tilespmem:s24], [sflag:$0x2] =	stream.indirect_vreg.gather [hbm4b:s5+s3], $0x80, v3, vm0, $0xb8;
	[tilespmem:$0x18400] =	vst v63  }
0xff: {  	s24 =	simm.s32 $0xFC00  }
0x100: {  	[tilespmem:s24], [sflag:$0x2] =	stream.indirect_vreg.gather [hbm4b:s6+s3], $0x80, v3, vm0, $0xb8;
	[tilespmem:$0x18400] =	vst v63  }
0x101: {  	_ =	swait.ge [sflag:s31], $0x8000  }
0x102: {  	[sflag:s31] =	ssyncset.done $0x0  }
0x103: {  	s24 =	rddreg [dreg:$0x7];
	[sflag:s31] =	ssyncadd.s32 $0xFFFF8000  }
0x104: {  	[hbm4b:s24+s3] =	stream.linear.scatter [tilespmem:s2], [sflag:$0x6], $0x8000, $0x38;
	[tilespmem:$0x18400] =	vst v63  }
0x105: {  	_ =	swait.ge [sflag:s23], $0x8000  }
0x106: {  	[sflag:s23] =	ssyncset.done $0x0  }
0x107: {  	[sflag:s23] =	ssyncadd.s32 $0xFFFF8000  }
0x108: {  	v3 =	vld [tilespmem:$0x280];
	_ =	sdelay $0x4  }
0x109: {  	v58 =	vshll.u32 v3, $0x3  }
0x10a: {  	v3 =	vand.u32 $0x7, v3;
	v4 =	vand.u32 $0xFFFFFFC0, v58  }
0x10b: {  	v3 =	vor.u32 v3, v4  }
0x10c: {  	v4 =	vperm.xlane v3, v0;
	_ =	sdelay $0x1  }
0x10d: {  	v4 =	vadd.s32 v1, v4;
	_ =	sdelay $0x4  }
0x10e: {  	[tilespmem:s2], [sflag:$0x3] =	stream.indirect_vreg.gather [hbm4b:s1+s3], $0x80, v4, vm0, $0xb8;
	[tilespmem:$0x18400] =	vst v63  }
0x10f: {  	v3 =	vperm.xlane v3, v2  }
0x110: {  	[tilespmem:s22], [sflag:$0x3] =	stream.indirect_vreg.gather [hbm4b:s4+s3], $0x80, v4, vm0, $0xb8;
	[tilespmem:$0x18400] =	vst v63  }
0x111: {  	v3 =	vadd.s32 v1, v3  }
0x112: {  	[tilespmem:s8], [sflag:$0x3] =	stream.indirect_vreg.gather [hbm4b:s5+s3], $0x80, v4, vm0, $0xb8;
	[tilespmem:$0x18400] =	vst v63  }
0x113: {  	_ = 	snop  }
0x114: {  	[tilespmem:s9], [sflag:$0x3] =	stream.indirect_vreg.gather [hbm4b:s6+s3], $0x80, v4, vm0, $0xb8;
	[tilespmem:$0x18400] =	vst v63  }
0x115: {  	_ = 	snop  }
0x116: {  	[tilespmem:s10], [sflag:$0x3] =	stream.indirect_vreg.gather [hbm4b:s1+s3], $0x80, v3, vm0, $0xb8;
	[tilespmem:$0x18400] =	vst v63  }
0x117: {  	_ = 	snop  }
0x118: {  	[tilespmem:s11], [sflag:$0x3] =	stream.indirect_vreg.gather [hbm4b:s4+s3], $0x80, v3, vm0, $0xb8;
	[tilespmem:$0x18400] =	vst v63  }
0x119: {  	_ = 	snop  }
0x11a: {  	[tilespmem:s12], [sflag:$0x3] =	stream.indirect_vreg.gather [hbm4b:s5+s3], $0x80, v3, vm0, $0xb8;
	[tilespmem:$0x18400] =	vst v63  }
0x11b: {  	_ = 	snop  }
0x11c: {  	[tilespmem:s13], [sflag:$0x3] =	stream.indirect_vreg.gather [hbm4b:s6+s3], $0x80, v3, vm0, $0xb8;
	[tilespmem:$0x18400] =	vst v63  }
0x11d: {  	v3 =	vld [tilespmem:$0x290];
	_ =	sdelay $0x4  }
0x11e: {  	v59 =	vshll.u32 v3, $0x3  }
0x11f: {  	v3 =	vand.u32 $0x7, v3;
	v4 =	vand.u32 $0xFFFFFFC0, v59  }
0x120: {  	v3 =	vor.u32 v3, v4  }
0x121: {  	v4 =	vperm.xlane v3, v0;
	_ =	sdelay $0x1  }
0x122: {  	v4 =	vadd.s32 v1, v4;
	_ =	sdelay $0x4  }
0x123: {  	[tilespmem:s14], [sflag:$0x3] =	stream.indirect_vreg.gather [hbm4b:s1+s3], $0x80, v4, vm0, $0xb8;
	[tilespmem:$0x18400] =	vst v63  }
0x124: {  	v3 =	vperm.xlane v3, v2  }
0x125: {  	[tilespmem:s15], [sflag:$0x3] =	stream.indirect_vreg.gather [hbm4b:s4+s3], $0x80, v4, vm0, $0xb8;
	[tilespmem:$0x18400] =	vst v63  }
0x126: {  	v3 =	vadd.s32 v1, v3  }
0x127: {  	[tilespmem:s16], [sflag:$0x3] =	stream.indirect_vreg.gather [hbm4b:s5+s3], $0x80, v4, vm0, $0xb8;
	[tilespmem:$0x18400] =	vst v63  }
0x128: {  	_ = 	snop  }
0x129: {  	[tilespmem:s17], [sflag:$0x3] =	stream.indirect_vreg.gather [hbm4b:s6+s3], $0x80, v4, vm0, $0xb8;
	[tilespmem:$0x18400] =	vst v63  }
0x12a: {  	_ = 	snop  }
0x12b: {  	[tilespmem:s26], [sflag:$0x3] =	stream.indirect_vreg.gather [hbm4b:s1+s3], $0x80, v3, vm0, $0xb8;
	[tilespmem:$0x18400] =	vst v63  }
0x12c: {  	_ = 	snop  }
0x12d: {  	[tilespmem:s28], [sflag:$0x3] =	stream.indirect_vreg.gather [hbm4b:s4+s3], $0x80, v3, vm0, $0xb8;
	[tilespmem:$0x18400] =	vst v63  }
0x12e: {  	_ = 	snop  }
0x12f: {  	[tilespmem:s29], [sflag:$0x3] =	stream.indirect_vreg.gather [hbm4b:s5+s3], $0x80, v3, vm0, $0xb8;
	[tilespmem:$0x18400] =	vst v63  }
0x130: {  	_ = 	snop  }
0x131: {  	[tilespmem:s30], [sflag:$0x3] =	stream.indirect_vreg.gather [hbm4b:s6+s3], $0x80, v3, vm0, $0xb8;
	[tilespmem:$0x18400] =	vst v63  }
0x132: {  	_ =	swait.ge [sflag:s18], $0x8000  }
0x133: {  	[sflag:s18] =	ssyncset.done $0x0  }
0x134: {  	s8 =	rddreg [dreg:$0x8];
	[sflag:s18] =	ssyncadd.s32 $0xFFFF8000  }
0x135: {  	[hbm4b:s8+s3] =	stream.linear.scatter [tilespmem:s25], [sflag:$0x4], $0x8000, $0x38;
	[tilespmem:$0x18400] =	vst v63  }
0x136: {  	_ =	swait.ge [sflag:s19], $0x8000  }
0x137: {  	[sflag:s19] =	ssyncset.done $0x0  }
0x138: {  	[sflag:s19] =	ssyncadd.s32 $0xFFFF8000  }
0x139: {  	v3 =	vld [tilespmem:$0x300];
	_ =	sdelay $0x4  }
0x13a: {  	v60 =	vshll.u32 v3, $0x3  }
0x13b: {  	v3 =	vand.u32 $0x7, v3;
	v4 =	vand.u32 $0xFFFFFFC0, v60  }
0x13c: {  	v3 =	vor.u32 v3, v4  }
0x13d: {  	v4 =	vperm.xlane v3, v0;
	_ =	sdelay $0x1  }
0x13e: {  	v4 =	vadd.s32 v1, v4;
	_ =	sdelay $0x4  }
0x13f: {  	[tilespmem:s25], [sflag:$0x1] =	stream.indirect_vreg.gather [hbm4b:s1+s3], $0x80, v4, vm0, $0xb8;
	[tilespmem:$0x18400] =	vst v63  }
0x140: {  	s24 =	simm.s32 $0xC00;
	v3 =	vperm.xlane v3, v2  }
0x141: {  	[tilespmem:s24], [sflag:$0x1] =	stream.indirect_vreg.gather [hbm4b:s4+s3], $0x80, v4, vm0, $0xb8;
	[tilespmem:$0x18400] =	vst v63  }
0x142: {  	v3 =	vadd.s32 v1, v3;
	s24 =	simm.s32 $0x1400  }
0x143: {  	[tilespmem:s24], [sflag:$0x1] =	stream.indirect_vreg.gather [hbm4b:s5+s3], $0x80, v4, vm0, $0xb8;
	[tilespmem:$0x18400] =	vst v63  }
0x144: {  	s24 =	simm.s32 $0x1C00  }
0x145: {  	[tilespmem:s24], [sflag:$0x1] =	stream.indirect_vreg.gather [hbm4b:s6+s3], $0x80, v4, vm0, $0xb8;
	[tilespmem:$0x18400] =	vst v63  }
0x146: {  	s24 =	simm.s32 $0x2400  }
0x147: {  	[tilespmem:s24], [sflag:$0x1] =	stream.indirect_vreg.gather [hbm4b:s1+s3], $0x80, v3, vm0, $0xb8;
	[tilespmem:$0x18400] =	vst v63  }
0x148: {  	s24 =	simm.s32 $0x2C00  }
0x149: {  	[tilespmem:s24], [sflag:$0x1] =	stream.indirect_vreg.gather [hbm4b:s4+s3], $0x80, v3, vm0, $0xb8;
	[tilespmem:$0x18400] =	vst v63  }
0x14a: {  	s24 =	simm.s32 $0x3400  }
0x14b: {  	[tilespmem:s24], [sflag:$0x1] =	stream.indirect_vreg.gather [hbm4b:s5+s3], $0x80, v3, vm0, $0xb8;
	[tilespmem:$0x18400] =	vst v63  }
0x14c: {  	s24 =	simm.s32 $0x3C00  }
0x14d: {  	[tilespmem:s24], [sflag:$0x1] =	stream.indirect_vreg.gather [hbm4b:s6+s3], $0x80, v3, vm0, $0xb8;
	[tilespmem:$0x18400] =	vst v63  }
0x14e: {  	v3 =	vld [tilespmem:$0x310];
	_ =	sdelay $0x4  }
0x14f: {  	v61 =	vshll.u32 v3, $0x3  }
0x150: {  	v3 =	vand.u32 $0x7, v3;
	v4 =	vand.u32 $0xFFFFFFC0, v61  }
0x151: {  	v3 =	vor.u32 v3, v4  }
0x152: {  	v4 =	vperm.xlane v3, v0;
	_ =	sdelay $0x1  }
0x153: {  	v4 =	vadd.s32 v1, v4;
	_ =	sdelay $0x3  }
0x154: {  	s24 =	simm.s32 $0x4400  }
0x155: {  	[tilespmem:s24], [sflag:$0x1] =	stream.indirect_vreg.gather [hbm4b:s1+s3], $0x80, v4, vm0, $0xb8;
	[tilespmem:$0x18400] =	vst v63  }
0x156: {  	v3 =	vperm.xlane v3, v2;
	s24 =	simm.s32 $0x4C00  }
0x157: {  	[tilespmem:s24], [sflag:$0x1] =	stream.indirect_vreg.gather [hbm4b:s4+s3], $0x80, v4, vm0, $0xb8;
	[tilespmem:$0x18400] =	vst v63  }
0x158: {  	v3 =	vadd.s32 v1, v3;
	s24 =	simm.s32 $0x5400  }
0x159: {  	[tilespmem:s24], [sflag:$0x1] =	stream.indirect_vreg.gather [hbm4b:s5+s3], $0x80, v4, vm0, $0xb8;
	[tilespmem:$0x18400] =	vst v63  }
0x15a: {  	s24 =	simm.s32 $0x5C00  }
0x15b: {  	[tilespmem:s24], [sflag:$0x1] =	stream.indirect_vreg.gather [hbm4b:s6+s3], $0x80, v4, vm0, $0xb8;
	[tilespmem:$0x18400] =	vst v63  }
0x15c: {  	s24 =	simm.s32 $0x6400  }
0x15d: {  	[tilespmem:s24], [sflag:$0x1] =	stream.indirect_vreg.gather [hbm4b:s1+s3], $0x80, v3, vm0, $0xb8;
	[tilespmem:$0x18400] =	vst v63  }
0x15e: {  	s24 =	simm.s32 $0x6C00  }
0x15f: {  	[tilespmem:s24], [sflag:$0x1] =	stream.indirect_vreg.gather [hbm4b:s4+s3], $0x80, v3, vm0, $0xb8;
	[tilespmem:$0x18400] =	vst v63  }
0x160: {  	s24 =	simm.s32 $0x7400  }
0x161: {  	[tilespmem:s24], [sflag:$0x1] =	stream.indirect_vreg.gather [hbm4b:s5+s3], $0x80, v3, vm0, $0xb8;
	[tilespmem:$0x18400] =	vst v63  }
0x162: {  	s24 =	simm.s32 $0x7C00  }
0x163: {  	[tilespmem:s24], [sflag:$0x1] =	stream.indirect_vreg.gather [hbm4b:s6+s3], $0x80, v3, vm0, $0xb8;
	[tilespmem:$0x18400] =	vst v63  }
0x164: {  	_ =	swait.ge [sflag:s20], $0x8000  }
0x165: {  	[sflag:s20] =	ssyncset.done $0x0  }
0x166: {  	s8 =	rddreg [dreg:$0x9];
	[sflag:s20] =	ssyncadd.s32 $0xFFFF8000  }
0x167: {  	[hbm4b:s8+s3] =	stream.linear.scatter [tilespmem:s0], [sflag:$0x5], $0x8000, $0x38;
	[tilespmem:$0x18400] =	vst v63  }
0x168: {  	_ =	swait.ge [sflag:s21], $0x8000  }
0x169: {  	[sflag:s21] =	ssyncset.done $0x0  }
0x16a: {  	[sflag:s21] =	ssyncadd.s32 $0xFFFF8000  }
0x16b: {  	v3 =	vld [tilespmem:$0x380];
	_ =	sdelay $0x4  }
0x16c: {  	v62 =	vshll.u32 v3, $0x3  }
0x16d: {  	v3 =	vand.u32 $0x7, v3;
	v4 =	vand.u32 $0xFFFFFFC0, v62  }
0x16e: {  	v3 =	vor.u32 v3, v4  }
0x16f: {  	v4 =	vperm.xlane v3, v0;
	_ =	sdelay $0x1  }
0x170: {  	v4 =	vadd.s32 v1, v4;
	_ =	sdelay $0x4  }
0x171: {  	[tilespmem:s0], [sflag:$0x2] =	stream.indirect_vreg.gather [hbm4b:s1+s3], $0x80, v4, vm0, $0xb8;
	[tilespmem:$0x18400] =	vst v63  }
0x172: {  	s24 =	simm.s32 $0x8C00;
	v3 =	vperm.xlane v3, v2  }
0x173: {  	[tilespmem:s24], [sflag:$0x2] =	stream.indirect_vreg.gather [hbm4b:s4+s3], $0x80, v4, vm0, $0xb8;
	[tilespmem:$0x18400] =	vst v63  }
0x174: {  	v3 =	vadd.s32 v1, v3;
	s24 =	simm.s32 $0x9400  }
0x175: {  	[tilespmem:s24], [sflag:$0x2] =	stream.indirect_vreg.gather [hbm4b:s5+s3], $0x80, v4, vm0, $0xb8;
	[tilespmem:$0x18400] =	vst v63  }
0x176: {  	s24 =	simm.s32 $0x9C00  }
0x177: {  	[tilespmem:s24], [sflag:$0x2] =	stream.indirect_vreg.gather [hbm4b:s6+s3], $0x80, v4, vm0, $0xb8;
	[tilespmem:$0x18400] =	vst v63  }
0x178: {  	s24 =	simm.s32 $0xA400  }
0x179: {  	[tilespmem:s24], [sflag:$0x2] =	stream.indirect_vreg.gather [hbm4b:s1+s3], $0x80, v3, vm0, $0xb8;
	[tilespmem:$0x18400] =	vst v63  }
0x17a: {  	s24 =	simm.s32 $0xAC00  }
0x17b: {  	[tilespmem:s24], [sflag:$0x2] =	stream.indirect_vreg.gather [hbm4b:s4+s3], $0x80, v3, vm0, $0xb8;
	[tilespmem:$0x18400] =	vst v63  }
0x17c: {  	s24 =	simm.s32 $0xB400  }
0x17d: {  	[tilespmem:s24], [sflag:$0x2] =	stream.indirect_vreg.gather [hbm4b:s5+s3], $0x80, v3, vm0, $0xb8;
	[tilespmem:$0x18400] =	vst v63  }
0x17e: {  	s24 =	simm.s32 $0xBC00  }
0x17f: {  	[tilespmem:s24], [sflag:$0x2] =	stream.indirect_vreg.gather [hbm4b:s6+s3], $0x80, v3, vm0, $0xb8;
	[tilespmem:$0x18400] =	vst v63  }
0x180: {  	v3 =	vld [tilespmem:$0x390];
	_ =	sdelay $0x4  }
0x181: {  	v63 =	vshll.u32 v3, $0x3  }
0x182: {  	v3 =	vand.u32 $0x7, v3;
	v4 =	vand.u32 $0xFFFFFFC0, v63  }
0x183: {  	v3 =	vor.u32 v3, v4  }
0x184: {  	v4 =	vperm.xlane v3, v0;
	_ =	sdelay $0x1  }
0x185: {  	v4 =	vadd.s32 v1, v4;
	_ =	sdelay $0x3  }
0x186: {  	s24 =	simm.s32 $0xC400  }
0x187: {  	[tilespmem:s24], [sflag:$0x2] =	stream.indirect_vreg.gather [hbm4b:s1+s3], $0x80, v4, vm0, $0xb8;
	[tilespmem:$0x18400] =	vst v63  }
0x188: {  	v3 =	vperm.xlane v3, v2;
	s24 =	simm.s32 $0xCC00  }
0x189: {  	[tilespmem:s24], [sflag:$0x2] =	stream.indirect_vreg.gather [hbm4b:s4+s3], $0x80, v4, vm0, $0xb8;
	[tilespmem:$0x18400] =	vst v63  }
0x18a: {  	v3 =	vadd.s32 v1, v3;
	s24 =	simm.s32 $0xD400  }
0x18b: {  	[tilespmem:s24], [sflag:$0x2] =	stream.indirect_vreg.gather [hbm4b:s5+s3], $0x80, v4, vm0, $0xb8;
	[tilespmem:$0x18400] =	vst v63  }
0x18c: {  	s24 =	simm.s32 $0xDC00  }
0x18d: {  	[tilespmem:s24], [sflag:$0x2] =	stream.indirect_vreg.gather [hbm4b:s6+s3], $0x80, v4, vm0, $0xb8;
	[tilespmem:$0x18400] =	vst v63  }
0x18e: {  	s24 =	simm.s32 $0xE400  }
0x18f: {  	[tilespmem:s24], [sflag:$0x2] =	stream.indirect_vreg.gather [hbm4b:s1+s3], $0x80, v3, vm0, $0xb8;
	[tilespmem:$0x18400] =	vst v63  }
0x190: {  	s24 =	simm.s32 $0xEC00  }
0x191: {  	[tilespmem:s24], [sflag:$0x2] =	stream.indirect_vreg.gather [hbm4b:s4+s3], $0x80, v3, vm0, $0xb8;
	[tilespmem:$0x18400] =	vst v63  }
0x192: {  	s24 =	simm.s32 $0xF400  }
0x193: {  	[tilespmem:s24], [sflag:$0x2] =	stream.indirect_vreg.gather [hbm4b:s5+s3], $0x80, v3, vm0, $0xb8;
	[tilespmem:$0x18400] =	vst v63  }
0x194: {  	s24 =	simm.s32 $0xFC00  }
0x195: {  	[tilespmem:s24], [sflag:$0x2] =	stream.indirect_vreg.gather [hbm4b:s6+s3], $0x80, v3, vm0, $0xb8;
	[tilespmem:$0x18400] =	vst v63  }
0x196: {  	_ =	swait.ge [sflag:s31], $0x8000  }
0x197: {  	[sflag:s31] =	ssyncset.done $0x0  }
0x198: {  	s8 =	rddreg [dreg:$0xa];
	[sflag:s31] =	ssyncadd.s32 $0xFFFF8000  }
0x199: {  	[hbm4b:s8+s3] =	stream.linear.scatter [tilespmem:s2], [sflag:$0x6], $0x8000, $0x38;
	[tilespmem:$0x18400] =	vst v63  }
0x19a: {  	_ =	swait.ge [sflag:s18], $0x8000  }
0x19b: {  	[sflag:s18] =	ssyncset.done $0x0  }
0x19c: {  	s2 =	rddreg [dreg:$0xb];
	[sflag:s18] =	ssyncadd.s32 $0xFFFF8000  }
0x19d: {  	[hbm4b:s2+s3] =	stream.linear.scatter [tilespmem:s25], [sflag:$0x4], $0x8000, $0x38;
	[tilespmem:$0x18400] =	vst v63  }
0x19e: {  	_ =	swait.ge [sflag:s20], $0x8000  }
0x19f: {  	[sflag:s20] =	ssyncset.done $0x0  }
0x1a0: {  	s8 =	rddreg [dreg:$0xc];
	[sflag:s20] =	ssyncadd.s32 $0xFFFF8000  }
0x1a1: {  	[hbm4b:s8+s3] =	stream.linear.scatter [tilespmem:s0], [sflag:$0x5], $0x8000, $0x38;
	[tilespmem:$0x18400] =	vst v63  }
0x1a2: {  	_ =	swait.ge [sflag:s19], $0x8000  }
0x1a3: {  	[sflag:s19] =	ssyncset.done $0x0  }
0x1a4: {  	[sflag:s19] =	ssyncadd.s32 $0xFFFF8000  }
0x1a5: {  	p0 =	sne.s32 s7, $0x1;
	_ =	swait.ge [sflag:s21], $0x8000  }
.Ltmp0:
0x1a6: {  	[sflag:s21] =	ssyncset.done $0x0;
	(pc) =	sbr.rel @p0 .LBB2_1-.Ltmp0, $4  }
0x1a7: {  	[sflag:s21] =	ssyncadd.s32 $0xFFFF8000  }
0x1a8: {  	_ =	swait.ge [sflag:s23], $0x8000  }
0x1a9: {  	[sflag:s23] =	ssyncset.done $0x0  }
0x1aa: {  	s7 =	sadd.s32 $0xFFFFFFFF, s7;
	[sflag:s23] =	ssyncadd.s32 $0xFFFF8000  }
0x1ab: {  	_ =	sfence.sel $0x180000  }
0x1ac: {  	[bflag:$0x0] =	sbarrier.arrive $0xFFFF  }
0x1ad: {  	_ =	strace $0x90000047  }
0x1ae: {  	s0 =	stileid.u32;
	[bflag:$0x2] =	sbarrier.arrive $0xFFFF  }
0x1af: {  	p0 =	sne.s32 s0, $0x0;
	s0 =	rddreg [dreg:$0x3]  }
0x1b0: {  	s0 =	sadd.s32 @!p0 $0x100000, s0  }
0x1b1: {  	[sflag:s0] =	ssyncadd.tile.s32 @!p0 $0x1;
	_ =	shalt  }
.Lfunc_end2:
_tile_overlayer_lowered:
.L_overlay_start_2:
0x1b2: {  	(tag) =	ssettag $0x2  }
0x1b3: {  	s0 =	rddreg [dreg:$0x0];
	s2 =	stileid.u32  }
0x1b4: {  	s1 =	rddreg [dreg:$0x1];
	p0 =	sne.s32 s2, $0x0  }
0x1b5: {  	s3 =	rddreg [dreg:$0x2];
	[bflag:$0x3] =	sbarrier.arrive $0xFFFF;
	s2 =	simm.s32 @!p0 $0x1C07  }
0x1b6: {  	[timem:s3], [sflag:s2] =	dma.local @!p0 [hbm:s0], s1  }
0x1b7: {  	s0 =	simm.s32 @!p0 $0x7  }
0x1b8: {  	_ =	swait.ge @!p0 [sflag:s0], s1  }
0x1b9: {  	s1 =	ssub.s32 @!p0 $0x0, s1;
	[sflag:s0] =	ssyncset.done @!p0 $0x0  }
0x1ba: {  	[sflag:s0] =	ssyncadd.s32 @!p0 s1  }
0x1bb: {  	[bflag:$0x3] =	sbarrier.arrive $0xFFFF  }
0x1bc: {  	_ =	shalt  }

</sc_bundles>
